<compile_context>
chip_gen: v7x
topology: tpu7x:2x2x1
jax: 0.10.2.dev20260603
libtpu: 0.0.44.dev20260713+nightly
codegen_flags: <defaults>
</compile_context>

<pallas_src>
import jax
import jax.numpy as jnp
from jax import lax
from jax.experimental import pallas as pl
from jax.experimental.pallas import tpu as pltpu
from jax.experimental.pallas import tpu_sc as plsc

B = 16384
F = 26
D = 32
NC, NS, L = 2, 16, 16
NW = NC * NS
BPW = B // NW
CHUNK_B = 32
NCHUNK = BPW // CHUNK_B
CR = CHUNK_B * F
G = 8
NG = CHUNK_B // G
HALVES = D // L


def _body(x_hbm, table_hbm, bias_hbm, out_hbm,
          xi_v, stage_v, bias_v, gsem0, gsem1, gsem2, gsem3, ssem):
    gsems = [gsem0, gsem1, gsem2, gsem3]
    wid = lax.axis_index("s") * NC + lax.axis_index("c")

    pltpu.sync_copy(bias_hbm, bias_v)
    bvecs = [bias_v[f, pl.ds(h * L, L)] for f in range(F) for h in range(HALVES)]

    def chunk(c, carry):
        cb = wid * BPW + c * CHUNK_B

        pltpu.sync_copy(x_hbm.at[pl.ds(cb, CHUNK_B)], xi_v)

        def fetch_row(bb, carry2):
            for f in range(F):
                i = bb * F + f
                pltpu.async_copy(table_hbm.at[pl.ds(i, 1), :],
                                 stage_v.at[pl.ds(bb * F + f, 1)],
                                 gsems[f % 4])
            return carry2

        lax.fori_loop(0, CHUNK_B, fetch_row, 0)

        for k, nf in enumerate((7, 7, 6, 6)):
            pltpu.make_async_copy(
                table_hbm.at[pl.ds(0, nf * CHUNK_B), :],
                stage_v.at[pl.ds(0, nf * CHUNK_B)], gsems[k]).wait()

        def add_bias(b, carry2):
            for f in range(F):
                for h in range(HALVES):
                    sl = pl.ds(h * L, L)
                    r = b * F + f
                    stage_v[r, sl] = stage_v[r, sl] + bvecs[f * HALVES + h]
            return carry2

        lax.fori_loop(0, CHUNK_B, add_bias, 0)

        def writeout(b, carry2):
            pltpu.async_copy(stage_v.at[pl.ds(b * F, F)], out_hbm.at[cb + b],
                             ssem)
            return carry2

        lax.fori_loop(0, CHUNK_B, writeout, 0)
        pltpu.make_async_copy(table_hbm.at[pl.ds(0, CR), :], stage_v,
                              ssem).wait()
        return carry

    lax.fori_loop(0, NCHUNK, chunk, 0)


def kernel(X, table, bias):
    mesh = plsc.VectorSubcoreMesh(core_axis_name="c", subcore_axis_name="s")
    bias128 = jnp.pad(bias, ((0, 6), (0, 128 - D)))
    x128 = jnp.pad(X, ((0, 0), (0, 128 - F)))
    f = pl.kernel(
        _body,
        out_type=jax.ShapeDtypeStruct((B, F, D), jnp.float32),
        mesh=mesh,
        compiler_params=pltpu.CompilerParams(use_tc_tiling_on_sc=True),
        scratch_types=[
            pltpu.VMEM((CHUNK_B, 128), jnp.int32),
            pltpu.VMEM((CR, D), jnp.float32),
            pltpu.VMEM((32, 128), jnp.float32),
            pltpu.SemaphoreType.DMA,
            pltpu.SemaphoreType.DMA,
            pltpu.SemaphoreType.DMA,
            pltpu.SemaphoreType.DMA,
            pltpu.SemaphoreType.DMA,
        ],
    )
    return f(x128, table, bias128)

# --- scband reference (transcript-rebuilt; emitter-appended) ---
"""Pipeline reference for scband-same-size-cat-embeddings-79207786873230 (READ-ONLY COPY).

The authoritative reference and input builder live on the scoring server;
editing this copy changes nothing except your own understanding.
"""

import jax, jax.numpy as jnp
import numpy as np

BATCH = 16384
N_FIELDS = 26
N_TOKENS = 26 * 100000  # sum of per-field cardinalities
EMBED_DIM = 32

def setup_inputs(seed: int = 0) -> dict:
    key = jax.random.key(seed)
    k1, k2, k3 = jax.random.split(key, 3)
    X = jax.random.randint(k1, (BATCH, N_FIELDS), 0, N_TOKENS + 1, dtype=jnp.int64 if jax.config.read('jax_enable_x64') else jnp.int32)
    X = X.astype(jnp.int32)
    # nn.Embedding(n_tokens+1, embed_dim, padding_idx=0): row 0 is zeros
    table = jax.random.normal(k2, (N_TOKENS + 1, EMBED_DIM), dtype=jnp.float32)
    table = table.at[0].set(0.0)
    # bias: kaiming_uniform_(Tensor(n_cat, embed_dim), a=sqrt(5)) -> uniform(-b, b), b = sqrt(6/((1+5)*fan_in)), fan_in=embed_dim
    bound = float(np.sqrt(6.0 / (6.0 * EMBED_DIM)))
    bias = jax.random.uniform(k3, (N_FIELDS, EMBED_DIM), minval=-bound, maxval=bound, dtype=jnp.float32)
    return {"X": X, "table": table, "bias": bias}

def reference(X, table, bias):
    # cat_idx = [0..25] so X[:, cat_idx] == X
    # x = self.embed(X[:, self.cat_idx].long())
    x = jnp.take(table, X, axis=0)           # [B, 26, 32] gather
    # use_bias, no cls_token: x = x + bias.unsqueeze(0)
    x = x + bias[None, :, :]
    # activation_fn is None; Dropout(p=0.0) is identity
    return x

if __name__ == "__main__":
    import jax
    _d = setup_inputs()
    print(jax.jit(kernel)(*tuple(_d.values())))

</pallas_src>

<mosaic_0001>
#map = affine_map<(d0, d1) -> (0, 0)>
#map1 = affine_map<(d0, d1) -> (0, 0, 0)>
module attributes {stable_mosaic.version = 14 : i64} {
  func.func @_body(%arg0: i32, %arg1: i32, %arg2: memref<16384x128xi32, #tpu.memory_space<hbm>>, %arg3: memref<2600001x32xf32, #tpu.memory_space<hbm>>, %arg4: memref<32x128xf32, #tpu.memory_space<hbm>>, %arg5: memref<16384x26x32xf32, #tpu.memory_space<hbm>>, %arg6: memref<32x128xi32, #tpu.memory_space<vmem>>, %arg7: memref<832x32xf32, #tpu.memory_space<vmem>>, %arg8: memref<32x128xf32, #tpu.memory_space<vmem>>, %arg9: memref<!tpu.dma_semaphore, #tpu.memory_space<semaphore_mem>>, %arg10: memref<!tpu.dma_semaphore, #tpu.memory_space<semaphore_mem>>, %arg11: memref<!tpu.dma_semaphore, #tpu.memory_space<semaphore_mem>>, %arg12: memref<!tpu.dma_semaphore, #tpu.memory_space<semaphore_mem>>, %arg13: memref<!tpu.dma_semaphore, #tpu.memory_space<semaphore_mem>>) attributes {dimension_semantics = [#tpu.dimension_semantics<core_parallel>, #tpu.dimension_semantics<subcore_parallel>], iteration_bounds = array<i64: 2, 16>, scalar_prefetch = 0 : i64, scratch_operands = 8 : i64, tpu.core_type = #tpu.core_type<sc_vector_subcore>, window_params = [{transform_indices = #map}, {transform_indices = #map}, {transform_indices = #map}, {transform_indices = #map1}]} {
    %mul3A = arith.constant 2 : i32
    %mul3A_0 = arith.muli %arg1, %mul3A : i32
    %add3A = arith.addi %mul3A_0, %arg0 : i32
    "tpu.region"() ({
      %run_scoped3A = tpu.sem_alloc : memref<!tpu.dma_semaphore, #tpu.memory_space<semaphore_mem>>
      tpu.enqueue_dma source(%arg4 : memref<32x128xf32, #tpu.memory_space<hbm>>) target(%arg8 : memref<32x128xf32, #tpu.memory_space<vmem>>) target_semaphore(%run_scoped3A : memref<!tpu.dma_semaphore, #tpu.memory_space<semaphore_mem>>)
      tpu.wait_dma2 semaphore(%run_scoped3A : memref<!tpu.dma_semaphore, #tpu.memory_space<semaphore_mem>>) src(%arg4 : memref<32x128xf32, #tpu.memory_space<hbm>>) dst(%arg8 : memref<32x128xf32, #tpu.memory_space<vmem>>)
      tpu.yield
    }) : () -> ()
    %get3A = arith.constant 0 : i32
    %get3A_1 = arith.index_cast %get3A : i32 to index
    %get3A_2 = arith.constant 0 : index
    %get3A_3 = tpu.vector_load %arg8[%get3A_1, %get3A_2] {strides = array<i32>} : memref<32x128xf32, #tpu.memory_space<vmem>>, vector<1x16xf32>,
    %get3A_4 = vector.shape_cast %get3A_3 : vector<1x16xf32> to vector<16xf32>
    %get3A_5 = arith.constant 0 : i32
    %get3A_6 = arith.index_cast %get3A_5 : i32 to index
    %get3A_7 = arith.constant 16 : index
    %get3A_8 = tpu.vector_load %arg8[%get3A_6, %get3A_7] {strides = array<i32>} : memref<32x128xf32, #tpu.memory_space<vmem>>, vector<1x16xf32>,
    %get3A_9 = vector.shape_cast %get3A_8 : vector<1x16xf32> to vector<16xf32>
    %get3A_10 = arith.constant 1 : i32
    %get3A_11 = arith.index_cast %get3A_10 : i32 to index
    %get3A_12 = arith.constant 0 : index
    %get3A_13 = tpu.vector_load %arg8[%get3A_11, %get3A_12] {strides = array<i32>} : memref<32x128xf32, #tpu.memory_space<vmem>>, vector<1x16xf32>,
    %get3A_14 = vector.shape_cast %get3A_13 : vector<1x16xf32> to vector<16xf32>
    %get3A_15 = arith.constant 1 : i32
    %get3A_16 = arith.index_cast %get3A_15 : i32 to index
    %get3A_17 = arith.constant 16 : index
    %get3A_18 = tpu.vector_load %arg8[%get3A_16, %get3A_17] {strides = array<i32>} : memref<32x128xf32, #tpu.memory_space<vmem>>, vector<1x16xf32>,
    %get3A_19 = vector.shape_cast %get3A_18 : vector<1x16xf32> to vector<16xf32>
    %get3A_20 = arith.constant 2 : i32
    %get3A_21 = arith.index_cast %get3A_20 : i32 to index
    %get3A_22 = arith.constant 0 : index
    %get3A_23 = tpu.vector_load %arg8[%get3A_21, %get3A_22] {strides = array<i32>} : memref<32x128xf32, #tpu.memory_space<vmem>>, vector<1x16xf32>,
    %get3A_24 = vector.shape_cast %get3A_23 : vector<1x16xf32> to vector<16xf32>
    %get3A_25 = arith.constant 2 : i32
    %get3A_26 = arith.index_cast %get3A_25 : i32 to index
    %get3A_27 = arith.constant 16 : index
    %get3A_28 = tpu.vector_load %arg8[%get3A_26, %get3A_27] {strides = array<i32>} : memref<32x128xf32, #tpu.memory_space<vmem>>, vector<1x16xf32>,
    %get3A_29 = vector.shape_cast %get3A_28 : vector<1x16xf32> to vector<16xf32>
    %get3A_30 = arith.constant 3 : i32
    %get3A_31 = arith.index_cast %get3A_30 : i32 to index
    %get3A_32 = arith.constant 0 : index
    %get3A_33 = tpu.vector_load %arg8[%get3A_31, %get3A_32] {strides = array<i32>} : memref<32x128xf32, #tpu.memory_space<vmem>>, vector<1x16xf32>,
    %get3A_34 = vector.shape_cast %get3A_33 : vector<1x16xf32> to vector<16xf32>
    %get3A_35 = arith.constant 3 : i32
    %get3A_36 = arith.index_cast %get3A_35 : i32 to index
    %get3A_37 = arith.constant 16 : index
    %get3A_38 = tpu.vector_load %arg8[%get3A_36, %get3A_37] {strides = array<i32>} : memref<32x128xf32, #tpu.memory_space<vmem>>, vector<1x16xf32>,
    %get3A_39 = vector.shape_cast %get3A_38 : vector<1x16xf32> to vector<16xf32>
    %get3A_40 = arith.constant 4 : i32
    %get3A_41 = arith.index_cast %get3A_40 : i32 to index
    %get3A_42 = arith.constant 0 : index
    %get3A_43 = tpu.vector_load %arg8[%get3A_41, %get3A_42] {strides = array<i32>} : memref<32x128xf32, #tpu.memory_space<vmem>>, vector<1x16xf32>,
    %get3A_44 = vector.shape_cast %get3A_43 : vector<1x16xf32> to vector<16xf32>
    %get3A_45 = arith.constant 4 : i32
    %get3A_46 = arith.index_cast %get3A_45 : i32 to index
    %get3A_47 = arith.constant 16 : index
    %get3A_48 = tpu.vector_load %arg8[%get3A_46, %get3A_47] {strides = array<i32>} : memref<32x128xf32, #tpu.memory_space<vmem>>, vector<1x16xf32>,
    %get3A_49 = vector.shape_cast %get3A_48 : vector<1x16xf32> to vector<16xf32>
    %get3A_50 = arith.constant 5 : i32
    %get3A_51 = arith.index_cast %get3A_50 : i32 to index
    %get3A_52 = arith.constant 0 : index
    %get3A_53 = tpu.vector_load %arg8[%get3A_51, %get3A_52] {strides = array<i32>} : memref<32x128xf32, #tpu.memory_space<vmem>>, vector<1x16xf32>,
    %get3A_54 = vector.shape_cast %get3A_53 : vector<1x16xf32> to vector<16xf32>
    %get3A_55 = arith.constant 5 : i32
    %get3A_56 = arith.index_cast %get3A_55 : i32 to index
    %get3A_57 = arith.constant 16 : index
    %get3A_58 = tpu.vector_load %arg8[%get3A_56, %get3A_57] {strides = array<i32>} : memref<32x128xf32, #tpu.memory_space<vmem>>, vector<1x16xf32>,
    %get3A_59 = vector.shape_cast %get3A_58 : vector<1x16xf32> to vector<16xf32>
    %get3A_60 = arith.constant 6 : i32
    %get3A_61 = arith.index_cast %get3A_60 : i32 to index
    %get3A_62 = arith.constant 0 : index
    %get3A_63 = tpu.vector_load %arg8[%get3A_61, %get3A_62] {strides = array<i32>} : memref<32x128xf32, #tpu.memory_space<vmem>>, vector<1x16xf32>,
    %get3A_64 = vector.shape_cast %get3A_63 : vector<1x16xf32> to vector<16xf32>
    %get3A_65 = arith.constant 6 : i32
    %get3A_66 = arith.index_cast %get3A_65 : i32 to index
    %get3A_67 = arith.constant 16 : index
    %get3A_68 = tpu.vector_load %arg8[%get3A_66, %get3A_67] {strides = array<i32>} : memref<32x128xf32, #tpu.memory_space<vmem>>, vector<1x16xf32>,
    %get3A_69 = vector.shape_cast %get3A_68 : vector<1x16xf32> to vector<16xf32>
    %get3A_70 = arith.constant 7 : i32
    %get3A_71 = arith.index_cast %get3A_70 : i32 to index
    %get3A_72 = arith.constant 0 : index
    %get3A_73 = tpu.vector_load %arg8[%get3A_71, %get3A_72] {strides = array<i32>} : memref<32x128xf32, #tpu.memory_space<vmem>>, vector<1x16xf32>,
    %get3A_74 = vector.shape_cast %get3A_73 : vector<1x16xf32> to vector<16xf32>
    %get3A_75 = arith.constant 7 : i32
    %get3A_76 = arith.index_cast %get3A_75 : i32 to index
    %get3A_77 = arith.constant 16 : index
    %get3A_78 = tpu.vector_load %arg8[%get3A_76, %get3A_77] {strides = array<i32>} : memref<32x128xf32, #tpu.memory_space<vmem>>, vector<1x16xf32>,
    %get3A_79 = vector.shape_cast %get3A_78 : vector<1x16xf32> to vector<16xf32>
    %get3A_80 = arith.constant 8 : i32
    %get3A_81 = arith.index_cast %get3A_80 : i32 to index
    %get3A_82 = arith.constant 0 : index
    %get3A_83 = tpu.vector_load %arg8[%get3A_81, %get3A_82] {strides = array<i32>} : memref<32x128xf32, #tpu.memory_space<vmem>>, vector<1x16xf32>,
    %get3A_84 = vector.shape_cast %get3A_83 : vector<1x16xf32> to vector<16xf32>
    %get3A_85 = arith.constant 8 : i32
    %get3A_86 = arith.index_cast %get3A_85 : i32 to index
    %get3A_87 = arith.constant 16 : index
    %get3A_88 = tpu.vector_load %arg8[%get3A_86, %get3A_87] {strides = array<i32>} : memref<32x128xf32, #tpu.memory_space<vmem>>, vector<1x16xf32>,
    %get3A_89 = vector.shape_cast %get3A_88 : vector<1x16xf32> to vector<16xf32>
    %get3A_90 = arith.constant 9 : i32
    %get3A_91 = arith.index_cast %get3A_90 : i32 to index
    %get3A_92 = arith.constant 0 : index
    %get3A_93 = tpu.vector_load %arg8[%get3A_91, %get3A_92] {strides = array<i32>} : memref<32x128xf32, #tpu.memory_space<vmem>>, vector<1x16xf32>,
    %get3A_94 = vector.shape_cast %get3A_93 : vector<1x16xf32> to vector<16xf32>
    %get3A_95 = arith.constant 9 : i32
    %get3A_96 = arith.index_cast %get3A_95 : i32 to index
    %get3A_97 = arith.constant 16 : index
    %get3A_98 = tpu.vector_load %arg8[%get3A_96, %get3A_97] {strides = array<i32>} : memref<32x128xf32, #tpu.memory_space<vmem>>, vector<1x16xf32>,
    %get3A_99 = vector.shape_cast %get3A_98 : vector<1x16xf32> to vector<16xf32>
    %get3A_100 = arith.constant 10 : i32
    %get3A_101 = arith.index_cast %get3A_100 : i32 to index
    %get3A_102 = arith.constant 0 : index
    %get3A_103 = tpu.vector_load %arg8[%get3A_101, %get3A_102] {strides = array<i32>} : memref<32x128xf32, #tpu.memory_space<vmem>>, vector<1x16xf32>,
    %get3A_104 = vector.shape_cast %get3A_103 : vector<1x16xf32> to vector<16xf32>
    %get3A_105 = arith.constant 10 : i32
    %get3A_106 = arith.index_cast %get3A_105 : i32 to index
    %get3A_107 = arith.constant 16 : index
    %get3A_108 = tpu.vector_load %arg8[%get3A_106, %get3A_107] {strides = array<i32>} : memref<32x128xf32, #tpu.memory_space<vmem>>, vector<1x16xf32>,
    %get3A_109 = vector.shape_cast %get3A_108 : vector<1x16xf32> to vector<16xf32>
    %get3A_110 = arith.constant 11 : i32
    %get3A_111 = arith.index_cast %get3A_110 : i32 to index
    %get3A_112 = arith.constant 0 : index
    %get3A_113 = tpu.vector_load %arg8[%get3A_111, %get3A_112] {strides = array<i32>} : memref<32x128xf32, #tpu.memory_space<vmem>>, vector<1x16xf32>,
    %get3A_114 = vector.shape_cast %get3A_113 : vector<1x16xf32> to vector<16xf32>
    %get3A_115 = arith.constant 11 : i32
    %get3A_116 = arith.index_cast %get3A_115 : i32 to index
    %get3A_117 = arith.constant 16 : index
    %get3A_118 = tpu.vector_load %arg8[%get3A_116, %get3A_117] {strides = array<i32>} : memref<32x128xf32, #tpu.memory_space<vmem>>, vector<1x16xf32>,
    %get3A_119 = vector.shape_cast %get3A_118 : vector<1x16xf32> to vector<16xf32>
    %get3A_120 = arith.constant 12 : i32
    %get3A_121 = arith.index_cast %get3A_120 : i32 to index
    %get3A_122 = arith.constant 0 : index
    %get3A_123 = tpu.vector_load %arg8[%get3A_121, %get3A_122] {strides = array<i32>} : memref<32x128xf32, #tpu.memory_space<vmem>>, vector<1x16xf32>,
    %get3A_124 = vector.shape_cast %get3A_123 : vector<1x16xf32> to vector<16xf32>
    %get3A_125 = arith.constant 12 : i32
    %get3A_126 = arith.index_cast %get3A_125 : i32 to index
    %get3A_127 = arith.constant 16 : index
    %get3A_128 = tpu.vector_load %arg8[%get3A_126, %get3A_127] {strides = array<i32>} : memref<32x128xf32, #tpu.memory_space<vmem>>, vector<1x16xf32>,
    %get3A_129 = vector.shape_cast %get3A_128 : vector<1x16xf32> to vector<16xf32>
    %get3A_130 = arith.constant 13 : i32
    %get3A_131 = arith.index_cast %get3A_130 : i32 to index
    %get3A_132 = arith.constant 0 : index
    %get3A_133 = tpu.vector_load %arg8[%get3A_131, %get3A_132] {strides = array<i32>} : memref<32x128xf32, #tpu.memory_space<vmem>>, vector<1x16xf32>,
    %get3A_134 = vector.shape_cast %get3A_133 : vector<1x16xf32> to vector<16xf32>
    %get3A_135 = arith.constant 13 : i32
    %get3A_136 = arith.index_cast %get3A_135 : i32 to index
    %get3A_137 = arith.constant 16 : index
    %get3A_138 = tpu.vector_load %arg8[%get3A_136, %get3A_137] {strides = array<i32>} : memref<32x128xf32, #tpu.memory_space<vmem>>, vector<1x16xf32>,
    %get3A_139 = vector.shape_cast %get3A_138 : vector<1x16xf32> to vector<16xf32>
    %get3A_140 = arith.constant 14 : i32
    %get3A_141 = arith.index_cast %get3A_140 : i32 to index
    %get3A_142 = arith.constant 0 : index
    %get3A_143 = tpu.vector_load %arg8[%get3A_141, %get3A_142] {strides = array<i32>} : memref<32x128xf32, #tpu.memory_space<vmem>>, vector<1x16xf32>,
    %get3A_144 = vector.shape_cast %get3A_143 : vector<1x16xf32> to vector<16xf32>
    %get3A_145 = arith.constant 14 : i32
    %get3A_146 = arith.index_cast %get3A_145 : i32 to index
    %get3A_147 = arith.constant 16 : index
    %get3A_148 = tpu.vector_load %arg8[%get3A_146, %get3A_147] {strides = array<i32>} : memref<32x128xf32, #tpu.memory_space<vmem>>, vector<1x16xf32>,
    %get3A_149 = vector.shape_cast %get3A_148 : vector<1x16xf32> to vector<16xf32>
    %get3A_150 = arith.constant 15 : i32
    %get3A_151 = arith.index_cast %get3A_150 : i32 to index
    %get3A_152 = arith.constant 0 : index
    %get3A_153 = tpu.vector_load %arg8[%get3A_151, %get3A_152] {strides = array<i32>} : memref<32x128xf32, #tpu.memory_space<vmem>>, vector<1x16xf32>,
    %get3A_154 = vector.shape_cast %get3A_153 : vector<1x16xf32> to vector<16xf32>
    %get3A_155 = arith.constant 15 : i32
    %get3A_156 = arith.index_cast %get3A_155 : i32 to index
    %get3A_157 = arith.constant 16 : index
    %get3A_158 = tpu.vector_load %arg8[%get3A_156, %get3A_157] {strides = array<i32>} : memref<32x128xf32, #tpu.memory_space<vmem>>, vector<1x16xf32>,
    %get3A_159 = vector.shape_cast %get3A_158 : vector<1x16xf32> to vector<16xf32>
    %get3A_160 = arith.constant 16 : i32
    %get3A_161 = arith.index_cast %get3A_160 : i32 to index
    %get3A_162 = arith.constant 0 : index
    %get3A_163 = tpu.vector_load %arg8[%get3A_161, %get3A_162] {strides = array<i32>} : memref<32x128xf32, #tpu.memory_space<vmem>>, vector<1x16xf32>,
    %get3A_164 = vector.shape_cast %get3A_163 : vector<1x16xf32> to vector<16xf32>
    %get3A_165 = arith.constant 16 : i32
    %get3A_166 = arith.index_cast %get3A_165 : i32 to index
    %get3A_167 = arith.constant 16 : index
    %get3A_168 = tpu.vector_load %arg8[%get3A_166, %get3A_167] {strides = array<i32>} : memref<32x128xf32, #tpu.memory_space<vmem>>, vector<1x16xf32>,
    %get3A_169 = vector.shape_cast %get3A_168 : vector<1x16xf32> to vector<16xf32>
    %get3A_170 = arith.constant 17 : i32
    %get3A_171 = arith.index_cast %get3A_170 : i32 to index
    %get3A_172 = arith.constant 0 : index
    %get3A_173 = tpu.vector_load %arg8[%get3A_171, %get3A_172] {strides = array<i32>} : memref<32x128xf32, #tpu.memory_space<vmem>>, vector<1x16xf32>,
    %get3A_174 = vector.shape_cast %get3A_173 : vector<1x16xf32> to vector<16xf32>
    %get3A_175 = arith.constant 17 : i32
    %get3A_176 = arith.index_cast %get3A_175 : i32 to index
    %get3A_177 = arith.constant 16 : index
    %get3A_178 = tpu.vector_load %arg8[%get3A_176, %get3A_177] {strides = array<i32>} : memref<32x128xf32, #tpu.memory_space<vmem>>, vector<1x16xf32>,
    %get3A_179 = vector.shape_cast %get3A_178 : vector<1x16xf32> to vector<16xf32>
    %get3A_180 = arith.constant 18 : i32
    %get3A_181 = arith.index_cast %get3A_180 : i32 to index
    %get3A_182 = arith.constant 0 : index
    %get3A_183 = tpu.vector_load %arg8[%get3A_181, %get3A_182] {strides = array<i32>} : memref<32x128xf32, #tpu.memory_space<vmem>>, vector<1x16xf32>,
    %get3A_184 = vector.shape_cast %get3A_183 : vector<1x16xf32> to vector<16xf32>
    %get3A_185 = arith.constant 18 : i32
    %get3A_186 = arith.index_cast %get3A_185 : i32 to index
    %get3A_187 = arith.constant 16 : index
    %get3A_188 = tpu.vector_load %arg8[%get3A_186, %get3A_187] {strides = array<i32>} : memref<32x128xf32, #tpu.memory_space<vmem>>, vector<1x16xf32>,
    %get3A_189 = vector.shape_cast %get3A_188 : vector<1x16xf32> to vector<16xf32>
    %get3A_190 = arith.constant 19 : i32
    %get3A_191 = arith.index_cast %get3A_190 : i32 to index
    %get3A_192 = arith.constant 0 : index
    %get3A_193 = tpu.vector_load %arg8[%get3A_191, %get3A_192] {strides = array<i32>} : memref<32x128xf32, #tpu.memory_space<vmem>>, vector<1x16xf32>,
    %get3A_194 = vector.shape_cast %get3A_193 : vector<1x16xf32> to vector<16xf32>
    %get3A_195 = arith.constant 19 : i32
    %get3A_196 = arith.index_cast %get3A_195 : i32 to index
    %get3A_197 = arith.constant 16 : index
    %get3A_198 = tpu.vector_load %arg8[%get3A_196, %get3A_197] {strides = array<i32>} : memref<32x128xf32, #tpu.memory_space<vmem>>, vector<1x16xf32>,
    %get3A_199 = vector.shape_cast %get3A_198 : vector<1x16xf32> to vector<16xf32>
    %get3A_200 = arith.constant 20 : i32
    %get3A_201 = arith.index_cast %get3A_200 : i32 to index
    %get3A_202 = arith.constant 0 : index
    %get3A_203 = tpu.vector_load %arg8[%get3A_201, %get3A_202] {strides = array<i32>} : memref<32x128xf32, #tpu.memory_space<vmem>>, vector<1x16xf32>,
    %get3A_204 = vector.shape_cast %get3A_203 : vector<1x16xf32> to vector<16xf32>
    %get3A_205 = arith.constant 20 : i32
    %get3A_206 = arith.index_cast %get3A_205 : i32 to index
    %get3A_207 = arith.constant 16 : index
    %get3A_208 = tpu.vector_load %arg8[%get3A_206, %get3A_207] {strides = array<i32>} : memref<32x128xf32, #tpu.memory_space<vmem>>, vector<1x16xf32>,
    %get3A_209 = vector.shape_cast %get3A_208 : vector<1x16xf32> to vector<16xf32>
    %get3A_210 = arith.constant 21 : i32
    %get3A_211 = arith.index_cast %get3A_210 : i32 to index
    %get3A_212 = arith.constant 0 : index
    %get3A_213 = tpu.vector_load %arg8[%get3A_211, %get3A_212] {strides = array<i32>} : memref<32x128xf32, #tpu.memory_space<vmem>>, vector<1x16xf32>,
    %get3A_214 = vector.shape_cast %get3A_213 : vector<1x16xf32> to vector<16xf32>
    %get3A_215 = arith.constant 21 : i32
    %get3A_216 = arith.index_cast %get3A_215 : i32 to index
    %get3A_217 = arith.constant 16 : index
    %get3A_218 = tpu.vector_load %arg8[%get3A_216, %get3A_217] {strides = array<i32>} : memref<32x128xf32, #tpu.memory_space<vmem>>, vector<1x16xf32>,
    %get3A_219 = vector.shape_cast %get3A_218 : vector<1x16xf32> to vector<16xf32>
    %get3A_220 = arith.constant 22 : i32
    %get3A_221 = arith.index_cast %get3A_220 : i32 to index
    %get3A_222 = arith.constant 0 : index
    %get3A_223 = tpu.vector_load %arg8[%get3A_221, %get3A_222] {strides = array<i32>} : memref<32x128xf32, #tpu.memory_space<vmem>>, vector<1x16xf32>,
    %get3A_224 = vector.shape_cast %get3A_223 : vector<1x16xf32> to vector<16xf32>
    %get3A_225 = arith.constant 22 : i32
    %get3A_226 = arith.index_cast %get3A_225 : i32 to index
    %get3A_227 = arith.constant 16 : index
    %get3A_228 = tpu.vector_load %arg8[%get3A_226, %get3A_227] {strides = array<i32>} : memref<32x128xf32, #tpu.memory_space<vmem>>, vector<1x16xf32>,
    %get3A_229 = vector.shape_cast %get3A_228 : vector<1x16xf32> to vector<16xf32>
    %get3A_230 = arith.constant 23 : i32
    %get3A_231 = arith.index_cast %get3A_230 : i32 to index
    %get3A_232 = arith.constant 0 : index
    %get3A_233 = tpu.vector_load %arg8[%get3A_231, %get3A_232] {strides = array<i32>} : memref<32x128xf32, #tpu.memory_space<vmem>>, vector<1x16xf32>,
    %get3A_234 = vector.shape_cast %get3A_233 : vector<1x16xf32> to vector<16xf32>
    %get3A_235 = arith.constant 23 : i32
    %get3A_236 = arith.index_cast %get3A_235 : i32 to index
    %get3A_237 = arith.constant 16 : index
    %get3A_238 = tpu.vector_load %arg8[%get3A_236, %get3A_237] {strides = array<i32>} : memref<32x128xf32, #tpu.memory_space<vmem>>, vector<1x16xf32>,
    %get3A_239 = vector.shape_cast %get3A_238 : vector<1x16xf32> to vector<16xf32>
    %get3A_240 = arith.constant 24 : i32
    %get3A_241 = arith.index_cast %get3A_240 : i32 to index
    %get3A_242 = arith.constant 0 : index
    %get3A_243 = tpu.vector_load %arg8[%get3A_241, %get3A_242] {strides = array<i32>} : memref<32x128xf32, #tpu.memory_space<vmem>>, vector<1x16xf32>,
    %get3A_244 = vector.shape_cast %get3A_243 : vector<1x16xf32> to vector<16xf32>
    %get3A_245 = arith.constant 24 : i32
    %get3A_246 = arith.index_cast %get3A_245 : i32 to index
    %get3A_247 = arith.constant 16 : index
    %get3A_248 = tpu.vector_load %arg8[%get3A_246, %get3A_247] {strides = array<i32>} : memref<32x128xf32, #tpu.memory_space<vmem>>, vector<1x16xf32>,
    %get3A_249 = vector.shape_cast %get3A_248 : vector<1x16xf32> to vector<16xf32>
    %get3A_250 = arith.constant 25 : i32
    %get3A_251 = arith.index_cast %get3A_250 : i32 to index
    %get3A_252 = arith.constant 0 : index
    %get3A_253 = tpu.vector_load %arg8[%get3A_251, %get3A_252] {strides = array<i32>} : memref<32x128xf32, #tpu.memory_space<vmem>>, vector<1x16xf32>,
    %get3A_254 = vector.shape_cast %get3A_253 : vector<1x16xf32> to vector<16xf32>
    %get3A_255 = arith.constant 25 : i32
    %get3A_256 = arith.index_cast %get3A_255 : i32 to index
    %get3A_257 = arith.constant 16 : index
    %get3A_258 = tpu.vector_load %arg8[%get3A_256, %get3A_257] {strides = array<i32>} : memref<32x128xf32, #tpu.memory_space<vmem>>, vector<1x16xf32>,
    %get3A_259 = vector.shape_cast %get3A_258 : vector<1x16xf32> to vector<16xf32>
    %scan3A = arith.constant 0 : i32
    %scan3A_260 = arith.constant 0 : i32
    %scan3A_261 = arith.constant 16 : i32
    %scan3A_262 = arith.addi %scan3A_260, %scan3A_261 : i32
    %scan3A_263 = arith.constant 1 : i32
    scf.for %scan3A_265 = %scan3A_260 to %scan3A_262 step %scan3A_263  : i32 {
      %mul3A_266 = arith.constant 512 : i32
      %mul3A_267 = arith.muli %add3A, %mul3A_266 : i32
      %mul3A_268 = arith.constant 32 : i32
      %mul3A_269 = arith.muli %scan3A_265, %mul3A_268 : i32
      %add3A_270 = arith.addi %mul3A_267, %mul3A_269 : i32
      "tpu.region"() ({
        %run_scoped3A = tpu.sem_alloc : memref<!tpu.dma_semaphore, #tpu.memory_space<semaphore_mem>>
        %dma_start3A = arith.constant 0 : i32
        %dma_start3A_342 = tpu.memref_slice %arg2[%add3A_270, %dma_start3A] : memref<16384x128xi32, #tpu.memory_space<hbm>> -> memref<32x128xi32, #tpu.memory_space<hbm>>
        %dma_start3A_343 = arith.constant 0 : i32
        %dma_start3A_344 = tpu.memref_slice %arg2[%add3A_270, %dma_start3A_343] : memref<16384x128xi32, #tpu.memory_space<hbm>> -> memref<32x128xi32, #tpu.memory_space<hbm>>
        tpu.enqueue_dma source(%dma_start3A_344 : memref<32x128xi32, #tpu.memory_space<hbm>>) target(%arg6 : memref<32x128xi32, #tpu.memory_space<vmem>>) target_semaphore(%run_scoped3A : memref<!tpu.dma_semaphore, #tpu.memory_space<semaphore_mem>>)
        %dma_wait3A_345 = arith.constant 0 : i32
        %dma_wait3A_346 = tpu.memref_slice %arg2[%add3A_270, %dma_wait3A_345] : memref<16384x128xi32, #tpu.memory_space<hbm>> -> memref<32x128xi32, #tpu.memory_space<hbm>>
        %dma_wait3A_347 = arith.constant 0 : i32
        %dma_wait3A_348 = tpu.memref_slice %arg2[%add3A_270, %dma_wait3A_347] : memref<16384x128xi32, #tpu.memory_space<hbm>> -> memref<32x128xi32, #tpu.memory_space<hbm>>
        tpu.wait_dma2 semaphore(%run_scoped3A : memref<!tpu.dma_semaphore, #tpu.memory_space<semaphore_mem>>) src(%dma_wait3A_348 : memref<32x128xi32, #tpu.memory_space<hbm>>) dst(%arg6 : memref<32x128xi32, #tpu.memory_space<vmem>>)
        tpu.yield
      }) : () -> ()
      %scan3A_271 = arith.constant 0 : i32
      %scan3A_272 = arith.constant 0 : i32
      %scan3A_273 = arith.constant 32 : i32
      %scan3A_274 = arith.addi %scan3A_272, %scan3A_273 : i32
      %scan3A_275 = arith.constant 1 : i32
      scf.for %scan3A_342 = %scan3A_272 to %scan3A_274 step %scan3A_275  : i32 {
        %mul3A_343 = arith.constant 26 : i32
        %mul3A_344 = arith.muli %scan3A_342, %mul3A_343 : i32
        %add3A_345 = arith.constant 0 : i32
        %add3A_346 = arith.addi %mul3A_344, %add3A_345 : i32
        %mul3A_347 = arith.constant 26 : i32
        %mul3A_348 = arith.muli %scan3A_342, %mul3A_347 : i32
        %add3A_349 = arith.constant 0 : i32
        %add3A_350 = arith.addi %mul3A_348, %add3A_349 : i32
        %dma_start3A = arith.constant 0 : i32
        %dma_start3A_351 = tpu.memref_slice %arg7[%add3A_350, %dma_start3A] : memref<832x32xf32, #tpu.memory_space<vmem>> -> memref<1x32xf32, #tpu.memory_space<vmem>>
        %dma_start3A_352 = arith.constant 0 : i32
        %dma_start3A_353 = tpu.memref_slice %arg3[%add3A_346, %dma_start3A_352] : memref<2600001x32xf32, #tpu.memory_space<hbm>> -> memref<1x32xf32, #tpu.memory_space<hbm>>
        %dma_start3A_354 = arith.constant 0 : i32
        %dma_start3A_355 = tpu.memref_slice %arg7[%add3A_350, %dma_start3A_354] : memref<832x32xf32, #tpu.memory_space<vmem>> -> memref<1x32xf32, #tpu.memory_space<vmem>>
        %dma_start3A_356 = arith.constant 0 : i32
        %dma_start3A_357 = tpu.memref_slice %arg3[%add3A_346, %dma_start3A_356] : memref<2600001x32xf32, #tpu.memory_space<hbm>> -> memref<1x32xf32, #tpu.memory_space<hbm>>
        tpu.enqueue_dma source(%dma_start3A_357 : memref<1x32xf32, #tpu.memory_space<hbm>>) target(%dma_start3A_355 : memref<1x32xf32, #tpu.memory_space<vmem>>) target_semaphore(%arg9 : memref<!tpu.dma_semaphore, #tpu.memory_space<semaphore_mem>>)
        %mul3A_358 = arith.constant 26 : i32
        %mul3A_359 = arith.muli %scan3A_342, %mul3A_358 : i32
        %add3A_360 = arith.constant 1 : i32
        %add3A_361 = arith.addi %mul3A_359, %add3A_360 : i32
        %mul3A_362 = arith.constant 26 : i32
        %mul3A_363 = arith.muli %scan3A_342, %mul3A_362 : i32
        %add3A_364 = arith.constant 1 : i32
        %add3A_365 = arith.addi %mul3A_363, %add3A_364 : i32
        %dma_start3A_366 = arith.constant 0 : i32
        %dma_start3A_367 = tpu.memref_slice %arg7[%add3A_365, %dma_start3A_366] : memref<832x32xf32, #tpu.memory_space<vmem>> -> memref<1x32xf32, #tpu.memory_space<vmem>>
        %dma_start3A_368 = arith.constant 0 : i32
        %dma_start3A_369 = tpu.memref_slice %arg3[%add3A_361, %dma_start3A_368] : memref<2600001x32xf32, #tpu.memory_space<hbm>> -> memref<1x32xf32, #tpu.memory_space<hbm>>
        %dma_start3A_370 = arith.constant 0 : i32
        %dma_start3A_371 = tpu.memref_slice %arg7[%add3A_365, %dma_start3A_370] : memref<832x32xf32, #tpu.memory_space<vmem>> -> memref<1x32xf32, #tpu.memory_space<vmem>>
        %dma_start3A_372 = arith.constant 0 : i32
        %dma_start3A_373 = tpu.memref_slice %arg3[%add3A_361, %dma_start3A_372] : memref<2600001x32xf32, #tpu.memory_space<hbm>> -> memref<1x32xf32, #tpu.memory_space<hbm>>
        tpu.enqueue_dma source(%dma_start3A_373 : memref<1x32xf32, #tpu.memory_space<hbm>>) target(%dma_start3A_371 : memref<1x32xf32, #tpu.memory_space<vmem>>) target_semaphore(%arg10 : memref<!tpu.dma_semaphore, #tpu.memory_space<semaphore_mem>>)
        %mul3A_374 = arith.constant 26 : i32
        %mul3A_375 = arith.muli %scan3A_342, %mul3A_374 : i32
        %add3A_376 = arith.constant 2 : i32
        %add3A_377 = arith.addi %mul3A_375, %add3A_376 : i32
        %mul3A_378 = arith.constant 26 : i32
        %mul3A_379 = arith.muli %scan3A_342, %mul3A_378 : i32
        %add3A_380 = arith.constant 2 : i32
        %add3A_381 = arith.addi %mul3A_379, %add3A_380 : i32
        %dma_start3A_382 = arith.constant 0 : i32
        %dma_start3A_383 = tpu.memref_slice %arg7[%add3A_381, %dma_start3A_382] : memref<832x32xf32, #tpu.memory_space<vmem>> -> memref<1x32xf32, #tpu.memory_space<vmem>>
        %dma_start3A_384 = arith.constant 0 : i32
        %dma_start3A_385 = tpu.memref_slice %arg3[%add3A_377, %dma_start3A_384] : memref<2600001x32xf32, #tpu.memory_space<hbm>> -> memref<1x32xf32, #tpu.memory_space<hbm>>
        %dma_start3A_386 = arith.constant 0 : i32
        %dma_start3A_387 = tpu.memref_slice %arg7[%add3A_381, %dma_start3A_386] : memref<832x32xf32, #tpu.memory_space<vmem>> -> memref<1x32xf32, #tpu.memory_space<vmem>>
        %dma_start3A_388 = arith.constant 0 : i32
        %dma_start3A_389 = tpu.memref_slice %arg3[%add3A_377, %dma_start3A_388] : memref<2600001x32xf32, #tpu.memory_space<hbm>> -> memref<1x32xf32, #tpu.memory_space<hbm>>
        tpu.enqueue_dma source(%dma_start3A_389 : memref<1x32xf32, #tpu.memory_space<hbm>>) target(%dma_start3A_387 : memref<1x32xf32, #tpu.memory_space<vmem>>) target_semaphore(%arg11 : memref<!tpu.dma_semaphore, #tpu.memory_space<semaphore_mem>>)
        %mul3A_390 = arith.constant 26 : i32
        %mul3A_391 = arith.muli %scan3A_342, %mul3A_390 : i32
        %add3A_392 = arith.constant 3 : i32
        %add3A_393 = arith.addi %mul3A_391, %add3A_392 : i32
        %mul3A_394 = arith.constant 26 : i32
        %mul3A_395 = arith.muli %scan3A_342, %mul3A_394 : i32
        %add3A_396 = arith.constant 3 : i32
        %add3A_397 = arith.addi %mul3A_395, %add3A_396 : i32
        %dma_start3A_398 = arith.constant 0 : i32
        %dma_start3A_399 = tpu.memref_slice %arg7[%add3A_397, %dma_start3A_398] : memref<832x32xf32, #tpu.memory_space<vmem>> -> memref<1x32xf32, #tpu.memory_space<vmem>>
        %dma_start3A_400 = arith.constant 0 : i32
        %dma_start3A_401 = tpu.memref_slice %arg3[%add3A_393, %dma_start3A_400] : memref<2600001x32xf32, #tpu.memory_space<hbm>> -> memref<1x32xf32, #tpu.memory_space<hbm>>
        %dma_start3A_402 = arith.constant 0 : i32
        %dma_start3A_403 = tpu.memref_slice %arg7[%add3A_397, %dma_start3A_402] : memref<832x32xf32, #tpu.memory_space<vmem>> -> memref<1x32xf32, #tpu.memory_space<vmem>>
        %dma_start3A_404 = arith.constant 0 : i32
        %dma_start3A_405 = tpu.memref_slice %arg3[%add3A_393, %dma_start3A_404] : memref<2600001x32xf32, #tpu.memory_space<hbm>> -> memref<1x32xf32, #tpu.memory_space<hbm>>
        tpu.enqueue_dma source(%dma_start3A_405 : memref<1x32xf32, #tpu.memory_space<hbm>>) target(%dma_start3A_403 : memref<1x32xf32, #tpu.memory_space<vmem>>) target_semaphore(%arg12 : memref<!tpu.dma_semaphore, #tpu.memory_space<semaphore_mem>>)
        %mul3A_406 = arith.constant 26 : i32
        %mul3A_407 = arith.muli %scan3A_342, %mul3A_406 : i32
        %add3A_408 = arith.constant 4 : i32
        %add3A_409 = arith.addi %mul3A_407, %add3A_408 : i32
        %mul3A_410 = arith.constant 26 : i32
        %mul3A_411 = arith.muli %scan3A_342, %mul3A_410 : i32
        %add3A_412 = arith.constant 4 : i32
        %add3A_413 = arith.addi %mul3A_411, %add3A_412 : i32
        %dma_start3A_414 = arith.constant 0 : i32
        %dma_start3A_415 = tpu.memref_slice %arg7[%add3A_413, %dma_start3A_414] : memref<832x32xf32, #tpu.memory_space<vmem>> -> memref<1x32xf32, #tpu.memory_space<vmem>>
        %dma_start3A_416 = arith.constant 0 : i32
        %dma_start3A_417 = tpu.memref_slice %arg3[%add3A_409, %dma_start3A_416] : memref<2600001x32xf32, #tpu.memory_space<hbm>> -> memref<1x32xf32, #tpu.memory_space<hbm>>
        %dma_start3A_418 = arith.constant 0 : i32
        %dma_start3A_419 = tpu.memref_slice %arg7[%add3A_413, %dma_start3A_418] : memref<832x32xf32, #tpu.memory_space<vmem>> -> memref<1x32xf32, #tpu.memory_space<vmem>>
        %dma_start3A_420 = arith.constant 0 : i32
        %dma_start3A_421 = tpu.memref_slice %arg3[%add3A_409, %dma_start3A_420] : memref<2600001x32xf32, #tpu.memory_space<hbm>> -> memref<1x32xf32, #tpu.memory_space<hbm>>
        tpu.enqueue_dma source(%dma_start3A_421 : memref<1x32xf32, #tpu.memory_space<hbm>>) target(%dma_start3A_419 : memref<1x32xf32, #tpu.memory_space<vmem>>) target_semaphore(%arg9 : memref<!tpu.dma_semaphore, #tpu.memory_space<semaphore_mem>>)
        %mul3A_422 = arith.constant 26 : i32
        %mul3A_423 = arith.muli %scan3A_342, %mul3A_422 : i32
        %add3A_424 = arith.constant 5 : i32
        %add3A_425 = arith.addi %mul3A_423, %add3A_424 : i32
        %mul3A_426 = arith.constant 26 : i32
        %mul3A_427 = arith.muli %scan3A_342, %mul3A_426 : i32
        %add3A_428 = arith.constant 5 : i32
        %add3A_429 = arith.addi %mul3A_427, %add3A_428 : i32
        %dma_start3A_430 = arith.constant 0 : i32
        %dma_start3A_431 = tpu.memref_slice %arg7[%add3A_429, %dma_start3A_430] : memref<832x32xf32, #tpu.memory_space<vmem>> -> memref<1x32xf32, #tpu.memory_space<vmem>>
        %dma_start3A_432 = arith.constant 0 : i32
        %dma_start3A_433 = tpu.memref_slice %arg3[%add3A_425, %dma_start3A_432] : memref<2600001x32xf32, #tpu.memory_space<hbm>> -> memref<1x32xf32, #tpu.memory_space<hbm>>
        %dma_start3A_434 = arith.constant 0 : i32
        %dma_start3A_435 = tpu.memref_slice %arg7[%add3A_429, %dma_start3A_434] : memref<832x32xf32, #tpu.memory_space<vmem>> -> memref<1x32xf32, #tpu.memory_space<vmem>>
        %dma_start3A_436 = arith.constant 0 : i32
        %dma_start3A_437 = tpu.memref_slice %arg3[%add3A_425, %dma_start3A_436] : memref<2600001x32xf32, #tpu.memory_space<hbm>> -> memref<1x32xf32, #tpu.memory_space<hbm>>
        tpu.enqueue_dma source(%dma_start3A_437 : memref<1x32xf32, #tpu.memory_space<hbm>>) target(%dma_start3A_435 : memref<1x32xf32, #tpu.memory_space<vmem>>) target_semaphore(%arg10 : memref<!tpu.dma_semaphore, #tpu.memory_space<semaphore_mem>>)
        %mul3A_438 = arith.constant 26 : i32
        %mul3A_439 = arith.muli %scan3A_342, %mul3A_438 : i32
        %add3A_440 = arith.constant 6 : i32
        %add3A_441 = arith.addi %mul3A_439, %add3A_440 : i32
        %mul3A_442 = arith.constant 26 : i32
        %mul3A_443 = arith.muli %scan3A_342, %mul3A_442 : i32
        %add3A_444 = arith.constant 6 : i32
        %add3A_445 = arith.addi %mul3A_443, %add3A_444 : i32
        %dma_start3A_446 = arith.constant 0 : i32
        %dma_start3A_447 = tpu.memref_slice %arg7[%add3A_445, %dma_start3A_446] : memref<832x32xf32, #tpu.memory_space<vmem>> -> memref<1x32xf32, #tpu.memory_space<vmem>>
        %dma_start3A_448 = arith.constant 0 : i32
        %dma_start3A_449 = tpu.memref_slice %arg3[%add3A_441, %dma_start3A_448] : memref<2600001x32xf32, #tpu.memory_space<hbm>> -> memref<1x32xf32, #tpu.memory_space<hbm>>
        %dma_start3A_450 = arith.constant 0 : i32
        %dma_start3A_451 = tpu.memref_slice %arg7[%add3A_445, %dma_start3A_450] : memref<832x32xf32, #tpu.memory_space<vmem>> -> memref<1x32xf32, #tpu.memory_space<vmem>>
        %dma_start3A_452 = arith.constant 0 : i32
        %dma_start3A_453 = tpu.memref_slice %arg3[%add3A_441, %dma_start3A_452] : memref<2600001x32xf32, #tpu.memory_space<hbm>> -> memref<1x32xf32, #tpu.memory_space<hbm>>
        tpu.enqueue_dma source(%dma_start3A_453 : memref<1x32xf32, #tpu.memory_space<hbm>>) target(%dma_start3A_451 : memref<1x32xf32, #tpu.memory_space<vmem>>) target_semaphore(%arg11 : memref<!tpu.dma_semaphore, #tpu.memory_space<semaphore_mem>>)
        %mul3A_454 = arith.constant 26 : i32
        %mul3A_455 = arith.muli %scan3A_342, %mul3A_454 : i32
        %add3A_456 = arith.constant 7 : i32
        %add3A_457 = arith.addi %mul3A_455, %add3A_456 : i32
        %mul3A_458 = arith.constant 26 : i32
        %mul3A_459 = arith.muli %scan3A_342, %mul3A_458 : i32
        %add3A_460 = arith.constant 7 : i32
        %add3A_461 = arith.addi %mul3A_459, %add3A_460 : i32
        %dma_start3A_462 = arith.constant 0 : i32
        %dma_start3A_463 = tpu.memref_slice %arg7[%add3A_461, %dma_start3A_462] : memref<832x32xf32, #tpu.memory_space<vmem>> -> memref<1x32xf32, #tpu.memory_space<vmem>>
        %dma_start3A_464 = arith.constant 0 : i32
        %dma_start3A_465 = tpu.memref_slice %arg3[%add3A_457, %dma_start3A_464] : memref<2600001x32xf32, #tpu.memory_space<hbm>> -> memref<1x32xf32, #tpu.memory_space<hbm>>
        %dma_start3A_466 = arith.constant 0 : i32
        %dma_start3A_467 = tpu.memref_slice %arg7[%add3A_461, %dma_start3A_466] : memref<832x32xf32, #tpu.memory_space<vmem>> -> memref<1x32xf32, #tpu.memory_space<vmem>>
        %dma_start3A_468 = arith.constant 0 : i32
        %dma_start3A_469 = tpu.memref_slice %arg3[%add3A_457, %dma_start3A_468] : memref<2600001x32xf32, #tpu.memory_space<hbm>> -> memref<1x32xf32, #tpu.memory_space<hbm>>
        tpu.enqueue_dma source(%dma_start3A_469 : memref<1x32xf32, #tpu.memory_space<hbm>>) target(%dma_start3A_467 : memref<1x32xf32, #tpu.memory_space<vmem>>) target_semaphore(%arg12 : memref<!tpu.dma_semaphore, #tpu.memory_space<semaphore_mem>>)
        %mul3A_470 = arith.constant 26 : i32
        %mul3A_471 = arith.muli %scan3A_342, %mul3A_470 : i32
        %add3A_472 = arith.constant 8 : i32
        %add3A_473 = arith.addi %mul3A_471, %add3A_472 : i32
        %mul3A_474 = arith.constant 26 : i32
        %mul3A_475 = arith.muli %scan3A_342, %mul3A_474 : i32
        %add3A_476 = arith.constant 8 : i32
        %add3A_477 = arith.addi %mul3A_475, %add3A_476 : i32
        %dma_start3A_478 = arith.constant 0 : i32
        %dma_start3A_479 = tpu.memref_slice %arg7[%add3A_477, %dma_start3A_478] : memref<832x32xf32, #tpu.memory_space<vmem>> -> memref<1x32xf32, #tpu.memory_space<vmem>>
        %dma_start3A_480 = arith.constant 0 : i32
        %dma_start3A_481 = tpu.memref_slice %arg3[%add3A_473, %dma_start3A_480] : memref<2600001x32xf32, #tpu.memory_space<hbm>> -> memref<1x32xf32, #tpu.memory_space<hbm>>
        %dma_start3A_482 = arith.constant 0 : i32
        %dma_start3A_483 = tpu.memref_slice %arg7[%add3A_477, %dma_start3A_482] : memref<832x32xf32, #tpu.memory_space<vmem>> -> memref<1x32xf32, #tpu.memory_space<vmem>>
        %dma_start3A_484 = arith.constant 0 : i32
        %dma_start3A_485 = tpu.memref_slice %arg3[%add3A_473, %dma_start3A_484] : memref<2600001x32xf32, #tpu.memory_space<hbm>> -> memref<1x32xf32, #tpu.memory_space<hbm>>
        tpu.enqueue_dma source(%dma_start3A_485 : memref<1x32xf32, #tpu.memory_space<hbm>>) target(%dma_start3A_483 : memref<1x32xf32, #tpu.memory_space<vmem>>) target_semaphore(%arg9 : memref<!tpu.dma_semaphore, #tpu.memory_space<semaphore_mem>>)
        %mul3A_486 = arith.constant 26 : i32
        %mul3A_487 = arith.muli %scan3A_342, %mul3A_486 : i32
        %add3A_488 = arith.constant 9 : i32
        %add3A_489 = arith.addi %mul3A_487, %add3A_488 : i32
        %mul3A_490 = arith.constant 26 : i32
        %mul3A_491 = arith.muli %scan3A_342, %mul3A_490 : i32
        %add3A_492 = arith.constant 9 : i32
        %add3A_493 = arith.addi %mul3A_491, %add3A_492 : i32
        %dma_start3A_494 = arith.constant 0 : i32
        %dma_start3A_495 = tpu.memref_slice %arg7[%add3A_493, %dma_start3A_494] : memref<832x32xf32, #tpu.memory_space<vmem>> -> memref<1x32xf32, #tpu.memory_space<vmem>>
        %dma_start3A_496 = arith.constant 0 : i32
        %dma_start3A_497 = tpu.memref_slice %arg3[%add3A_489, %dma_start3A_496] : memref<2600001x32xf32, #tpu.memory_space<hbm>> -> memref<1x32xf32, #tpu.memory_space<hbm>>
        %dma_start3A_498 = arith.constant 0 : i32
        %dma_start3A_499 = tpu.memref_slice %arg7[%add3A_493, %dma_start3A_498] : memref<832x32xf32, #tpu.memory_space<vmem>> -> memref<1x32xf32, #tpu.memory_space<vmem>>
        %dma_start3A_500 = arith.constant 0 : i32
        %dma_start3A_501 = tpu.memref_slice %arg3[%add3A_489, %dma_start3A_500] : memref<2600001x32xf32, #tpu.memory_space<hbm>> -> memref<1x32xf32, #tpu.memory_space<hbm>>
        tpu.enqueue_dma source(%dma_start3A_501 : memref<1x32xf32, #tpu.memory_space<hbm>>) target(%dma_start3A_499 : memref<1x32xf32, #tpu.memory_space<vmem>>) target_semaphore(%arg10 : memref<!tpu.dma_semaphore, #tpu.memory_space<semaphore_mem>>)
        %mul3A_502 = arith.constant 26 : i32
        %mul3A_503 = arith.muli %scan3A_342, %mul3A_502 : i32
        %add3A_504 = arith.constant 10 : i32
        %add3A_505 = arith.addi %mul3A_503, %add3A_504 : i32
        %mul3A_506 = arith.constant 26 : i32
        %mul3A_507 = arith.muli %scan3A_342, %mul3A_506 : i32
        %add3A_508 = arith.constant 10 : i32
        %add3A_509 = arith.addi %mul3A_507, %add3A_508 : i32
        %dma_start3A_510 = arith.constant 0 : i32
        %dma_start3A_511 = tpu.memref_slice %arg7[%add3A_509, %dma_start3A_510] : memref<832x32xf32, #tpu.memory_space<vmem>> -> memref<1x32xf32, #tpu.memory_space<vmem>>
        %dma_start3A_512 = arith.constant 0 : i32
        %dma_start3A_513 = tpu.memref_slice %arg3[%add3A_505, %dma_start3A_512] : memref<2600001x32xf32, #tpu.memory_space<hbm>> -> memref<1x32xf32, #tpu.memory_space<hbm>>
        %dma_start3A_514 = arith.constant 0 : i32
        %dma_start3A_515 = tpu.memref_slice %arg7[%add3A_509, %dma_start3A_514] : memref<832x32xf32, #tpu.memory_space<vmem>> -> memref<1x32xf32, #tpu.memory_space<vmem>>
        %dma_start3A_516 = arith.constant 0 : i32
        %dma_start3A_517 = tpu.memref_slice %arg3[%add3A_505, %dma_start3A_516] : memref<2600001x32xf32, #tpu.memory_space<hbm>> -> memref<1x32xf32, #tpu.memory_space<hbm>>
        tpu.enqueue_dma source(%dma_start3A_517 : memref<1x32xf32, #tpu.memory_space<hbm>>) target(%dma_start3A_515 : memref<1x32xf32, #tpu.memory_space<vmem>>) target_semaphore(%arg11 : memref<!tpu.dma_semaphore, #tpu.memory_space<semaphore_mem>>)
        %mul3A_518 = arith.constant 26 : i32
        %mul3A_519 = arith.muli %scan3A_342, %mul3A_518 : i32
        %add3A_520 = arith.constant 11 : i32
        %add3A_521 = arith.addi %mul3A_519, %add3A_520 : i32
        %mul3A_522 = arith.constant 26 : i32
        %mul3A_523 = arith.muli %scan3A_342, %mul3A_522 : i32
        %add3A_524 = arith.constant 11 : i32
        %add3A_525 = arith.addi %mul3A_523, %add3A_524 : i32
        %dma_start3A_526 = arith.constant 0 : i32
        %dma_start3A_527 = tpu.memref_slice %arg7[%add3A_525, %dma_start3A_526] : memref<832x32xf32, #tpu.memory_space<vmem>> -> memref<1x32xf32, #tpu.memory_space<vmem>>
        %dma_start3A_528 = arith.constant 0 : i32
        %dma_start3A_529 = tpu.memref_slice %arg3[%add3A_521, %dma_start3A_528] : memref<2600001x32xf32, #tpu.memory_space<hbm>> -> memref<1x32xf32, #tpu.memory_space<hbm>>
        %dma_start3A_530 = arith.constant 0 : i32
        %dma_start3A_531 = tpu.memref_slice %arg7[%add3A_525, %dma_start3A_530] : memref<832x32xf32, #tpu.memory_space<vmem>> -> memref<1x32xf32, #tpu.memory_space<vmem>>
        %dma_start3A_532 = arith.constant 0 : i32
        %dma_start3A_533 = tpu.memref_slice %arg3[%add3A_521, %dma_start3A_532] : memref<2600001x32xf32, #tpu.memory_space<hbm>> -> memref<1x32xf32, #tpu.memory_space<hbm>>
        tpu.enqueue_dma source(%dma_start3A_533 : memref<1x32xf32, #tpu.memory_space<hbm>>) target(%dma_start3A_531 : memref<1x32xf32, #tpu.memory_space<vmem>>) target_semaphore(%arg12 : memref<!tpu.dma_semaphore, #tpu.memory_space<semaphore_mem>>)
        %mul3A_534 = arith.constant 26 : i32
        %mul3A_535 = arith.muli %scan3A_342, %mul3A_534 : i32
        %add3A_536 = arith.constant 12 : i32
        %add3A_537 = arith.addi %mul3A_535, %add3A_536 : i32
        %mul3A_538 = arith.constant 26 : i32
        %mul3A_539 = arith.muli %scan3A_342, %mul3A_538 : i32
        %add3A_540 = arith.constant 12 : i32
        %add3A_541 = arith.addi %mul3A_539, %add3A_540 : i32
        %dma_start3A_542 = arith.constant 0 : i32
        %dma_start3A_543 = tpu.memref_slice %arg7[%add3A_541, %dma_start3A_542] : memref<832x32xf32, #tpu.memory_space<vmem>> -> memref<1x32xf32, #tpu.memory_space<vmem>>
        %dma_start3A_544 = arith.constant 0 : i32
        %dma_start3A_545 = tpu.memref_slice %arg3[%add3A_537, %dma_start3A_544] : memref<2600001x32xf32, #tpu.memory_space<hbm>> -> memref<1x32xf32, #tpu.memory_space<hbm>>
        %dma_start3A_546 = arith.constant 0 : i32
        %dma_start3A_547 = tpu.memref_slice %arg7[%add3A_541, %dma_start3A_546] : memref<832x32xf32, #tpu.memory_space<vmem>> -> memref<1x32xf32, #tpu.memory_space<vmem>>
        %dma_start3A_548 = arith.constant 0 : i32
        %dma_start3A_549 = tpu.memref_slice %arg3[%add3A_537, %dma_start3A_548] : memref<2600001x32xf32, #tpu.memory_space<hbm>> -> memref<1x32xf32, #tpu.memory_space<hbm>>
        tpu.enqueue_dma source(%dma_start3A_549 : memref<1x32xf32, #tpu.memory_space<hbm>>) target(%dma_start3A_547 : memref<1x32xf32, #tpu.memory_space<vmem>>) target_semaphore(%arg9 : memref<!tpu.dma_semaphore, #tpu.memory_space<semaphore_mem>>)
        %mul3A_550 = arith.constant 26 : i32
        %mul3A_551 = arith.muli %scan3A_342, %mul3A_550 : i32
        %add3A_552 = arith.constant 13 : i32
        %add3A_553 = arith.addi %mul3A_551, %add3A_552 : i32
        %mul3A_554 = arith.constant 26 : i32
        %mul3A_555 = arith.muli %scan3A_342, %mul3A_554 : i32
        %add3A_556 = arith.constant 13 : i32
        %add3A_557 = arith.addi %mul3A_555, %add3A_556 : i32
        %dma_start3A_558 = arith.constant 0 : i32
        %dma_start3A_559 = tpu.memref_slice %arg7[%add3A_557, %dma_start3A_558] : memref<832x32xf32, #tpu.memory_space<vmem>> -> memref<1x32xf32, #tpu.memory_space<vmem>>
        %dma_start3A_560 = arith.constant 0 : i32
        %dma_start3A_561 = tpu.memref_slice %arg3[%add3A_553, %dma_start3A_560] : memref<2600001x32xf32, #tpu.memory_space<hbm>> -> memref<1x32xf32, #tpu.memory_space<hbm>>
        %dma_start3A_562 = arith.constant 0 : i32
        %dma_start3A_563 = tpu.memref_slice %arg7[%add3A_557, %dma_start3A_562] : memref<832x32xf32, #tpu.memory_space<vmem>> -> memref<1x32xf32, #tpu.memory_space<vmem>>
        %dma_start3A_564 = arith.constant 0 : i32
        %dma_start3A_565 = tpu.memref_slice %arg3[%add3A_553, %dma_start3A_564] : memref<2600001x32xf32, #tpu.memory_space<hbm>> -> memref<1x32xf32, #tpu.memory_space<hbm>>
        tpu.enqueue_dma source(%dma_start3A_565 : memref<1x32xf32, #tpu.memory_space<hbm>>) target(%dma_start3A_563 : memref<1x32xf32, #tpu.memory_space<vmem>>) target_semaphore(%arg10 : memref<!tpu.dma_semaphore, #tpu.memory_space<semaphore_mem>>)
        %mul3A_566 = arith.constant 26 : i32
        %mul3A_567 = arith.muli %scan3A_342, %mul3A_566 : i32
        %add3A_568 = arith.constant 14 : i32
        %add3A_569 = arith.addi %mul3A_567, %add3A_568 : i32
        %mul3A_570 = arith.constant 26 : i32
        %mul3A_571 = arith.muli %scan3A_342, %mul3A_570 : i32
        %add3A_572 = arith.constant 14 : i32
        %add3A_573 = arith.addi %mul3A_571, %add3A_572 : i32
        %dma_start3A_574 = arith.constant 0 : i32
        %dma_start3A_575 = tpu.memref_slice %arg7[%add3A_573, %dma_start3A_574] : memref<832x32xf32, #tpu.memory_space<vmem>> -> memref<1x32xf32, #tpu.memory_space<vmem>>
        %dma_start3A_576 = arith.constant 0 : i32
        %dma_start3A_577 = tpu.memref_slice %arg3[%add3A_569, %dma_start3A_576] : memref<2600001x32xf32, #tpu.memory_space<hbm>> -> memref<1x32xf32, #tpu.memory_space<hbm>>
        %dma_start3A_578 = arith.constant 0 : i32
        %dma_start3A_579 = tpu.memref_slice %arg7[%add3A_573, %dma_start3A_578] : memref<832x32xf32, #tpu.memory_space<vmem>> -> memref<1x32xf32, #tpu.memory_space<vmem>>
        %dma_start3A_580 = arith.constant 0 : i32
        %dma_start3A_581 = tpu.memref_slice %arg3[%add3A_569, %dma_start3A_580] : memref<2600001x32xf32, #tpu.memory_space<hbm>> -> memref<1x32xf32, #tpu.memory_space<hbm>>
        tpu.enqueue_dma source(%dma_start3A_581 : memref<1x32xf32, #tpu.memory_space<hbm>>) target(%dma_start3A_579 : memref<1x32xf32, #tpu.memory_space<vmem>>) target_semaphore(%arg11 : memref<!tpu.dma_semaphore, #tpu.memory_space<semaphore_mem>>)
        %mul3A_582 = arith.constant 26 : i32
        %mul3A_583 = arith.muli %scan3A_342, %mul3A_582 : i32
        %add3A_584 = arith.constant 15 : i32
        %add3A_585 = arith.addi %mul3A_583, %add3A_584 : i32
        %mul3A_586 = arith.constant 26 : i32
        %mul3A_587 = arith.muli %scan3A_342, %mul3A_586 : i32
        %add3A_588 = arith.constant 15 : i32
        %add3A_589 = arith.addi %mul3A_587, %add3A_588 : i32
        %dma_start3A_590 = arith.constant 0 : i32
        %dma_start3A_591 = tpu.memref_slice %arg7[%add3A_589, %dma_start3A_590] : memref<832x32xf32, #tpu.memory_space<vmem>> -> memref<1x32xf32, #tpu.memory_space<vmem>>
        %dma_start3A_592 = arith.constant 0 : i32
        %dma_start3A_593 = tpu.memref_slice %arg3[%add3A_585, %dma_start3A_592] : memref<2600001x32xf32, #tpu.memory_space<hbm>> -> memref<1x32xf32, #tpu.memory_space<hbm>>
        %dma_start3A_594 = arith.constant 0 : i32
        %dma_start3A_595 = tpu.memref_slice %arg7[%add3A_589, %dma_start3A_594] : memref<832x32xf32, #tpu.memory_space<vmem>> -> memref<1x32xf32, #tpu.memory_space<vmem>>
        %dma_start3A_596 = arith.constant 0 : i32
        %dma_start3A_597 = tpu.memref_slice %arg3[%add3A_585, %dma_start3A_596] : memref<2600001x32xf32, #tpu.memory_space<hbm>> -> memref<1x32xf32, #tpu.memory_space<hbm>>
        tpu.enqueue_dma source(%dma_start3A_597 : memref<1x32xf32, #tpu.memory_space<hbm>>) target(%dma_start3A_595 : memref<1x32xf32, #tpu.memory_space<vmem>>) target_semaphore(%arg12 : memref<!tpu.dma_semaphore, #tpu.memory_space<semaphore_mem>>)
        %mul3A_598 = arith.constant 26 : i32
        %mul3A_599 = arith.muli %scan3A_342, %mul3A_598 : i32
        %add3A_600 = arith.constant 16 : i32
        %add3A_601 = arith.addi %mul3A_599, %add3A_600 : i32
        %mul3A_602 = arith.constant 26 : i32
        %mul3A_603 = arith.muli %scan3A_342, %mul3A_602 : i32
        %add3A_604 = arith.constant 16 : i32
        %add3A_605 = arith.addi %mul3A_603, %add3A_604 : i32
        %dma_start3A_606 = arith.constant 0 : i32
        %dma_start3A_607 = tpu.memref_slice %arg7[%add3A_605, %dma_start3A_606] : memref<832x32xf32, #tpu.memory_space<vmem>> -> memref<1x32xf32, #tpu.memory_space<vmem>>
        %dma_start3A_608 = arith.constant 0 : i32
        %dma_start3A_609 = tpu.memref_slice %arg3[%add3A_601, %dma_start3A_608] : memref<2600001x32xf32, #tpu.memory_space<hbm>> -> memref<1x32xf32, #tpu.memory_space<hbm>>
        %dma_start3A_610 = arith.constant 0 : i32
        %dma_start3A_611 = tpu.memref_slice %arg7[%add3A_605, %dma_start3A_610] : memref<832x32xf32, #tpu.memory_space<vmem>> -> memref<1x32xf32, #tpu.memory_space<vmem>>
        %dma_start3A_612 = arith.constant 0 : i32
        %dma_start3A_613 = tpu.memref_slice %arg3[%add3A_601, %dma_start3A_612] : memref<2600001x32xf32, #tpu.memory_space<hbm>> -> memref<1x32xf32, #tpu.memory_space<hbm>>
        tpu.enqueue_dma source(%dma_start3A_613 : memref<1x32xf32, #tpu.memory_space<hbm>>) target(%dma_start3A_611 : memref<1x32xf32, #tpu.memory_space<vmem>>) target_semaphore(%arg9 : memref<!tpu.dma_semaphore, #tpu.memory_space<semaphore_mem>>)
        %mul3A_614 = arith.constant 26 : i32
        %mul3A_615 = arith.muli %scan3A_342, %mul3A_614 : i32
        %add3A_616 = arith.constant 17 : i32
        %add3A_617 = arith.addi %mul3A_615, %add3A_616 : i32
        %mul3A_618 = arith.constant 26 : i32
        %mul3A_619 = arith.muli %scan3A_342, %mul3A_618 : i32
        %add3A_620 = arith.constant 17 : i32
        %add3A_621 = arith.addi %mul3A_619, %add3A_620 : i32
        %dma_start3A_622 = arith.constant 0 : i32
        %dma_start3A_623 = tpu.memref_slice %arg7[%add3A_621, %dma_start3A_622] : memref<832x32xf32, #tpu.memory_space<vmem>> -> memref<1x32xf32, #tpu.memory_space<vmem>>
        %dma_start3A_624 = arith.constant 0 : i32
        %dma_start3A_625 = tpu.memref_slice %arg3[%add3A_617, %dma_start3A_624] : memref<2600001x32xf32, #tpu.memory_space<hbm>> -> memref<1x32xf32, #tpu.memory_space<hbm>>
        %dma_start3A_626 = arith.constant 0 : i32
        %dma_start3A_627 = tpu.memref_slice %arg7[%add3A_621, %dma_start3A_626] : memref<832x32xf32, #tpu.memory_space<vmem>> -> memref<1x32xf32, #tpu.memory_space<vmem>>
        %dma_start3A_628 = arith.constant 0 : i32
        %dma_start3A_629 = tpu.memref_slice %arg3[%add3A_617, %dma_start3A_628] : memref<2600001x32xf32, #tpu.memory_space<hbm>> -> memref<1x32xf32, #tpu.memory_space<hbm>>
        tpu.enqueue_dma source(%dma_start3A_629 : memref<1x32xf32, #tpu.memory_space<hbm>>) target(%dma_start3A_627 : memref<1x32xf32, #tpu.memory_space<vmem>>) target_semaphore(%arg10 : memref<!tpu.dma_semaphore, #tpu.memory_space<semaphore_mem>>)
        %mul3A_630 = arith.constant 26 : i32
        %mul3A_631 = arith.muli %scan3A_342, %mul3A_630 : i32
        %add3A_632 = arith.constant 18 : i32
        %add3A_633 = arith.addi %mul3A_631, %add3A_632 : i32
        %mul3A_634 = arith.constant 26 : i32
        %mul3A_635 = arith.muli %scan3A_342, %mul3A_634 : i32
        %add3A_636 = arith.constant 18 : i32
        %add3A_637 = arith.addi %mul3A_635, %add3A_636 : i32
        %dma_start3A_638 = arith.constant 0 : i32
        %dma_start3A_639 = tpu.memref_slice %arg7[%add3A_637, %dma_start3A_638] : memref<832x32xf32, #tpu.memory_space<vmem>> -> memref<1x32xf32, #tpu.memory_space<vmem>>
        %dma_start3A_640 = arith.constant 0 : i32
        %dma_start3A_641 = tpu.memref_slice %arg3[%add3A_633, %dma_start3A_640] : memref<2600001x32xf32, #tpu.memory_space<hbm>> -> memref<1x32xf32, #tpu.memory_space<hbm>>
        %dma_start3A_642 = arith.constant 0 : i32
        %dma_start3A_643 = tpu.memref_slice %arg7[%add3A_637, %dma_start3A_642] : memref<832x32xf32, #tpu.memory_space<vmem>> -> memref<1x32xf32, #tpu.memory_space<vmem>>
        %dma_start3A_644 = arith.constant 0 : i32
        %dma_start3A_645 = tpu.memref_slice %arg3[%add3A_633, %dma_start3A_644] : memref<2600001x32xf32, #tpu.memory_space<hbm>> -> memref<1x32xf32, #tpu.memory_space<hbm>>
        tpu.enqueue_dma source(%dma_start3A_645 : memref<1x32xf32, #tpu.memory_space<hbm>>) target(%dma_start3A_643 : memref<1x32xf32, #tpu.memory_space<vmem>>) target_semaphore(%arg11 : memref<!tpu.dma_semaphore, #tpu.memory_space<semaphore_mem>>)
        %mul3A_646 = arith.constant 26 : i32
        %mul3A_647 = arith.muli %scan3A_342, %mul3A_646 : i32
        %add3A_648 = arith.constant 19 : i32
        %add3A_649 = arith.addi %mul3A_647, %add3A_648 : i32
        %mul3A_650 = arith.constant 26 : i32
        %mul3A_651 = arith.muli %scan3A_342, %mul3A_650 : i32
        %add3A_652 = arith.constant 19 : i32
        %add3A_653 = arith.addi %mul3A_651, %add3A_652 : i32
        %dma_start3A_654 = arith.constant 0 : i32
        %dma_start3A_655 = tpu.memref_slice %arg7[%add3A_653, %dma_start3A_654] : memref<832x32xf32, #tpu.memory_space<vmem>> -> memref<1x32xf32, #tpu.memory_space<vmem>>
        %dma_start3A_656 = arith.constant 0 : i32
        %dma_start3A_657 = tpu.memref_slice %arg3[%add3A_649, %dma_start3A_656] : memref<2600001x32xf32, #tpu.memory_space<hbm>> -> memref<1x32xf32, #tpu.memory_space<hbm>>
        %dma_start3A_658 = arith.constant 0 : i32
        %dma_start3A_659 = tpu.memref_slice %arg7[%add3A_653, %dma_start3A_658] : memref<832x32xf32, #tpu.memory_space<vmem>> -> memref<1x32xf32, #tpu.memory_space<vmem>>
        %dma_start3A_660 = arith.constant 0 : i32
        %dma_start3A_661 = tpu.memref_slice %arg3[%add3A_649, %dma_start3A_660] : memref<2600001x32xf32, #tpu.memory_space<hbm>> -> memref<1x32xf32, #tpu.memory_space<hbm>>
        tpu.enqueue_dma source(%dma_start3A_661 : memref<1x32xf32, #tpu.memory_space<hbm>>) target(%dma_start3A_659 : memref<1x32xf32, #tpu.memory_space<vmem>>) target_semaphore(%arg12 : memref<!tpu.dma_semaphore, #tpu.memory_space<semaphore_mem>>)
        %mul3A_662 = arith.constant 26 : i32
        %mul3A_663 = arith.muli %scan3A_342, %mul3A_662 : i32
        %add3A_664 = arith.constant 20 : i32
        %add3A_665 = arith.addi %mul3A_663, %add3A_664 : i32
        %mul3A_666 = arith.constant 26 : i32
        %mul3A_667 = arith.muli %scan3A_342, %mul3A_666 : i32
        %add3A_668 = arith.constant 20 : i32
        %add3A_669 = arith.addi %mul3A_667, %add3A_668 : i32
        %dma_start3A_670 = arith.constant 0 : i32
        %dma_start3A_671 = tpu.memref_slice %arg7[%add3A_669, %dma_start3A_670] : memref<832x32xf32, #tpu.memory_space<vmem>> -> memref<1x32xf32, #tpu.memory_space<vmem>>
        %dma_start3A_672 = arith.constant 0 : i32
        %dma_start3A_673 = tpu.memref_slice %arg3[%add3A_665, %dma_start3A_672] : memref<2600001x32xf32, #tpu.memory_space<hbm>> -> memref<1x32xf32, #tpu.memory_space<hbm>>
        %dma_start3A_674 = arith.constant 0 : i32
        %dma_start3A_675 = tpu.memref_slice %arg7[%add3A_669, %dma_start3A_674] : memref<832x32xf32, #tpu.memory_space<vmem>> -> memref<1x32xf32, #tpu.memory_space<vmem>>
        %dma_start3A_676 = arith.constant 0 : i32
        %dma_start3A_677 = tpu.memref_slice %arg3[%add3A_665, %dma_start3A_676] : memref<2600001x32xf32, #tpu.memory_space<hbm>> -> memref<1x32xf32, #tpu.memory_space<hbm>>
        tpu.enqueue_dma source(%dma_start3A_677 : memref<1x32xf32, #tpu.memory_space<hbm>>) target(%dma_start3A_675 : memref<1x32xf32, #tpu.memory_space<vmem>>) target_semaphore(%arg9 : memref<!tpu.dma_semaphore, #tpu.memory_space<semaphore_mem>>)
        %mul3A_678 = arith.constant 26 : i32
        %mul3A_679 = arith.muli %scan3A_342, %mul3A_678 : i32
        %add3A_680 = arith.constant 21 : i32
        %add3A_681 = arith.addi %mul3A_679, %add3A_680 : i32
        %mul3A_682 = arith.constant 26 : i32
        %mul3A_683 = arith.muli %scan3A_342, %mul3A_682 : i32
        %add3A_684 = arith.constant 21 : i32
        %add3A_685 = arith.addi %mul3A_683, %add3A_684 : i32
        %dma_start3A_686 = arith.constant 0 : i32
        %dma_start3A_687 = tpu.memref_slice %arg7[%add3A_685, %dma_start3A_686] : memref<832x32xf32, #tpu.memory_space<vmem>> -> memref<1x32xf32, #tpu.memory_space<vmem>>
        %dma_start3A_688 = arith.constant 0 : i32
        %dma_start3A_689 = tpu.memref_slice %arg3[%add3A_681, %dma_start3A_688] : memref<2600001x32xf32, #tpu.memory_space<hbm>> -> memref<1x32xf32, #tpu.memory_space<hbm>>
        %dma_start3A_690 = arith.constant 0 : i32
        %dma_start3A_691 = tpu.memref_slice %arg7[%add3A_685, %dma_start3A_690] : memref<832x32xf32, #tpu.memory_space<vmem>> -> memref<1x32xf32, #tpu.memory_space<vmem>>
        %dma_start3A_692 = arith.constant 0 : i32
        %dma_start3A_693 = tpu.memref_slice %arg3[%add3A_681, %dma_start3A_692] : memref<2600001x32xf32, #tpu.memory_space<hbm>> -> memref<1x32xf32, #tpu.memory_space<hbm>>
        tpu.enqueue_dma source(%dma_start3A_693 : memref<1x32xf32, #tpu.memory_space<hbm>>) target(%dma_start3A_691 : memref<1x32xf32, #tpu.memory_space<vmem>>) target_semaphore(%arg10 : memref<!tpu.dma_semaphore, #tpu.memory_space<semaphore_mem>>)
        %mul3A_694 = arith.constant 26 : i32
        %mul3A_695 = arith.muli %scan3A_342, %mul3A_694 : i32
        %add3A_696 = arith.constant 22 : i32
        %add3A_697 = arith.addi %mul3A_695, %add3A_696 : i32
        %mul3A_698 = arith.constant 26 : i32
        %mul3A_699 = arith.muli %scan3A_342, %mul3A_698 : i32
        %add3A_700 = arith.constant 22 : i32
        %add3A_701 = arith.addi %mul3A_699, %add3A_700 : i32
        %dma_start3A_702 = arith.constant 0 : i32
        %dma_start3A_703 = tpu.memref_slice %arg7[%add3A_701, %dma_start3A_702] : memref<832x32xf32, #tpu.memory_space<vmem>> -> memref<1x32xf32, #tpu.memory_space<vmem>>
        %dma_start3A_704 = arith.constant 0 : i32
        %dma_start3A_705 = tpu.memref_slice %arg3[%add3A_697, %dma_start3A_704] : memref<2600001x32xf32, #tpu.memory_space<hbm>> -> memref<1x32xf32, #tpu.memory_space<hbm>>
        %dma_start3A_706 = arith.constant 0 : i32
        %dma_start3A_707 = tpu.memref_slice %arg7[%add3A_701, %dma_start3A_706] : memref<832x32xf32, #tpu.memory_space<vmem>> -> memref<1x32xf32, #tpu.memory_space<vmem>>
        %dma_start3A_708 = arith.constant 0 : i32
        %dma_start3A_709 = tpu.memref_slice %arg3[%add3A_697, %dma_start3A_708] : memref<2600001x32xf32, #tpu.memory_space<hbm>> -> memref<1x32xf32, #tpu.memory_space<hbm>>
        tpu.enqueue_dma source(%dma_start3A_709 : memref<1x32xf32, #tpu.memory_space<hbm>>) target(%dma_start3A_707 : memref<1x32xf32, #tpu.memory_space<vmem>>) target_semaphore(%arg11 : memref<!tpu.dma_semaphore, #tpu.memory_space<semaphore_mem>>)
        %mul3A_710 = arith.constant 26 : i32
        %mul3A_711 = arith.muli %scan3A_342, %mul3A_710 : i32
        %add3A_712 = arith.constant 23 : i32
        %add3A_713 = arith.addi %mul3A_711, %add3A_712 : i32
        %mul3A_714 = arith.constant 26 : i32
        %mul3A_715 = arith.muli %scan3A_342, %mul3A_714 : i32
        %add3A_716 = arith.constant 23 : i32
        %add3A_717 = arith.addi %mul3A_715, %add3A_716 : i32
        %dma_start3A_718 = arith.constant 0 : i32
        %dma_start3A_719 = tpu.memref_slice %arg7[%add3A_717, %dma_start3A_718] : memref<832x32xf32, #tpu.memory_space<vmem>> -> memref<1x32xf32, #tpu.memory_space<vmem>>
        %dma_start3A_720 = arith.constant 0 : i32
        %dma_start3A_721 = tpu.memref_slice %arg3[%add3A_713, %dma_start3A_720] : memref<2600001x32xf32, #tpu.memory_space<hbm>> -> memref<1x32xf32, #tpu.memory_space<hbm>>
        %dma_start3A_722 = arith.constant 0 : i32
        %dma_start3A_723 = tpu.memref_slice %arg7[%add3A_717, %dma_start3A_722] : memref<832x32xf32, #tpu.memory_space<vmem>> -> memref<1x32xf32, #tpu.memory_space<vmem>>
        %dma_start3A_724 = arith.constant 0 : i32
        %dma_start3A_725 = tpu.memref_slice %arg3[%add3A_713, %dma_start3A_724] : memref<2600001x32xf32, #tpu.memory_space<hbm>> -> memref<1x32xf32, #tpu.memory_space<hbm>>
        tpu.enqueue_dma source(%dma_start3A_725 : memref<1x32xf32, #tpu.memory_space<hbm>>) target(%dma_start3A_723 : memref<1x32xf32, #tpu.memory_space<vmem>>) target_semaphore(%arg12 : memref<!tpu.dma_semaphore, #tpu.memory_space<semaphore_mem>>)
        %mul3A_726 = arith.constant 26 : i32
        %mul3A_727 = arith.muli %scan3A_342, %mul3A_726 : i32
        %add3A_728 = arith.constant 24 : i32
        %add3A_729 = arith.addi %mul3A_727, %add3A_728 : i32
        %mul3A_730 = arith.constant 26 : i32
        %mul3A_731 = arith.muli %scan3A_342, %mul3A_730 : i32
        %add3A_732 = arith.constant 24 : i32
        %add3A_733 = arith.addi %mul3A_731, %add3A_732 : i32
        %dma_start3A_734 = arith.constant 0 : i32
        %dma_start3A_735 = tpu.memref_slice %arg7[%add3A_733, %dma_start3A_734] : memref<832x32xf32, #tpu.memory_space<vmem>> -> memref<1x32xf32, #tpu.memory_space<vmem>>
        %dma_start3A_736 = arith.constant 0 : i32
        %dma_start3A_737 = tpu.memref_slice %arg3[%add3A_729, %dma_start3A_736] : memref<2600001x32xf32, #tpu.memory_space<hbm>> -> memref<1x32xf32, #tpu.memory_space<hbm>>
        %dma_start3A_738 = arith.constant 0 : i32
        %dma_start3A_739 = tpu.memref_slice %arg7[%add3A_733, %dma_start3A_738] : memref<832x32xf32, #tpu.memory_space<vmem>> -> memref<1x32xf32, #tpu.memory_space<vmem>>
        %dma_start3A_740 = arith.constant 0 : i32
        %dma_start3A_741 = tpu.memref_slice %arg3[%add3A_729, %dma_start3A_740] : memref<2600001x32xf32, #tpu.memory_space<hbm>> -> memref<1x32xf32, #tpu.memory_space<hbm>>
        tpu.enqueue_dma source(%dma_start3A_741 : memref<1x32xf32, #tpu.memory_space<hbm>>) target(%dma_start3A_739 : memref<1x32xf32, #tpu.memory_space<vmem>>) target_semaphore(%arg9 : memref<!tpu.dma_semaphore, #tpu.memory_space<semaphore_mem>>)
        %mul3A_742 = arith.constant 26 : i32
        %mul3A_743 = arith.muli %scan3A_342, %mul3A_742 : i32
        %add3A_744 = arith.constant 25 : i32
        %add3A_745 = arith.addi %mul3A_743, %add3A_744 : i32
        %mul3A_746 = arith.constant 26 : i32
        %mul3A_747 = arith.muli %scan3A_342, %mul3A_746 : i32
        %add3A_748 = arith.constant 25 : i32
        %add3A_749 = arith.addi %mul3A_747, %add3A_748 : i32
        %dma_start3A_750 = arith.constant 0 : i32
        %dma_start3A_751 = tpu.memref_slice %arg7[%add3A_749, %dma_start3A_750] : memref<832x32xf32, #tpu.memory_space<vmem>> -> memref<1x32xf32, #tpu.memory_space<vmem>>
        %dma_start3A_752 = arith.constant 0 : i32
        %dma_start3A_753 = tpu.memref_slice %arg3[%add3A_745, %dma_start3A_752] : memref<2600001x32xf32, #tpu.memory_space<hbm>> -> memref<1x32xf32, #tpu.memory_space<hbm>>
        %dma_start3A_754 = arith.constant 0 : i32
        %dma_start3A_755 = tpu.memref_slice %arg7[%add3A_749, %dma_start3A_754] : memref<832x32xf32, #tpu.memory_space<vmem>> -> memref<1x32xf32, #tpu.memory_space<vmem>>
        %dma_start3A_756 = arith.constant 0 : i32
        %dma_start3A_757 = tpu.memref_slice %arg3[%add3A_745, %dma_start3A_756] : memref<2600001x32xf32, #tpu.memory_space<hbm>> -> memref<1x32xf32, #tpu.memory_space<hbm>>
        tpu.enqueue_dma source(%dma_start3A_757 : memref<1x32xf32, #tpu.memory_space<hbm>>) target(%dma_start3A_755 : memref<1x32xf32, #tpu.memory_space<vmem>>) target_semaphore(%arg10 : memref<!tpu.dma_semaphore, #tpu.memory_space<semaphore_mem>>)
      }
      %scan3A_276 = arith.constant 32 : i32
      %dma_wait3A = arith.constant 0 : i32
      %dma_wait3A_277 = arith.constant 0 : i32
      %dma_wait3A_278 = tpu.memref_slice %arg7[%dma_wait3A, %dma_wait3A_277] : memref<832x32xf32, #tpu.memory_space<vmem>> -> memref<224x32xf32, #tpu.memory_space<vmem>>
      %dma_wait3A_279 = arith.constant 0 : i32
      %dma_wait3A_280 = arith.constant 0 : i32
      %dma_wait3A_281 = tpu.memref_slice %arg3[%dma_wait3A_279, %dma_wait3A_280] : memref<2600001x32xf32, #tpu.memory_space<hbm>> -> memref<224x32xf32, #tpu.memory_space<hbm>>
      %dma_wait3A_282 = arith.constant 0 : i32
      %dma_wait3A_283 = arith.constant 0 : i32
      %dma_wait3A_284 = tpu.memref_slice %arg7[%dma_wait3A_282, %dma_wait3A_283] : memref<832x32xf32, #tpu.memory_space<vmem>> -> memref<224x32xf32, #tpu.memory_space<vmem>>
      %dma_wait3A_285 = arith.constant 0 : i32
      %dma_wait3A_286 = arith.constant 0 : i32
      %dma_wait3A_287 = tpu.memref_slice %arg3[%dma_wait3A_285, %dma_wait3A_286] : memref<2600001x32xf32, #tpu.memory_space<hbm>> -> memref<224x32xf32, #tpu.memory_space<hbm>>
      tpu.wait_dma2 semaphore(%arg9 : memref<!tpu.dma_semaphore, #tpu.memory_space<semaphore_mem>>) src(%dma_wait3A_287 : memref<224x32xf32, #tpu.memory_space<hbm>>) dst(%dma_wait3A_284 : memref<224x32xf32, #tpu.memory_space<vmem>>)
      %dma_wait3A_288 = arith.constant 0 : i32
      %dma_wait3A_289 = arith.constant 0 : i32
      %dma_wait3A_290 = tpu.memref_slice %arg7[%dma_wait3A_288, %dma_wait3A_289] : memref<832x32xf32, #tpu.memory_space<vmem>> -> memref<224x32xf32, #tpu.memory_space<vmem>>
      %dma_wait3A_291 = arith.constant 0 : i32
      %dma_wait3A_292 = arith.constant 0 : i32
      %dma_wait3A_293 = tpu.memref_slice %arg3[%dma_wait3A_291, %dma_wait3A_292] : memref<2600001x32xf32, #tpu.memory_space<hbm>> -> memref<224x32xf32, #tpu.memory_space<hbm>>
      %dma_wait3A_294 = arith.constant 0 : i32
      %dma_wait3A_295 = arith.constant 0 : i32
      %dma_wait3A_296 = tpu.memref_slice %arg7[%dma_wait3A_294, %dma_wait3A_295] : memref<832x32xf32, #tpu.memory_space<vmem>> -> memref<224x32xf32, #tpu.memory_space<vmem>>
      %dma_wait3A_297 = arith.constant 0 : i32
      %dma_wait3A_298 = arith.constant 0 : i32
      %dma_wait3A_299 = tpu.memref_slice %arg3[%dma_wait3A_297, %dma_wait3A_298] : memref<2600001x32xf32, #tpu.memory_space<hbm>> -> memref<224x32xf32, #tpu.memory_space<hbm>>
      tpu.wait_dma2 semaphore(%arg10 : memref<!tpu.dma_semaphore, #tpu.memory_space<semaphore_mem>>) src(%dma_wait3A_299 : memref<224x32xf32, #tpu.memory_space<hbm>>) dst(%dma_wait3A_296 : memref<224x32xf32, #tpu.memory_space<vmem>>)
      %dma_wait3A_300 = arith.constant 0 : i32
      %dma_wait3A_301 = arith.constant 0 : i32
      %dma_wait3A_302 = tpu.memref_slice %arg7[%dma_wait3A_300, %dma_wait3A_301] : memref<832x32xf32, #tpu.memory_space<vmem>> -> memref<192x32xf32, #tpu.memory_space<vmem>>
      %dma_wait3A_303 = arith.constant 0 : i32
      %dma_wait3A_304 = arith.constant 0 : i32
      %dma_wait3A_305 = tpu.memref_slice %arg3[%dma_wait3A_303, %dma_wait3A_304] : memref<2600001x32xf32, #tpu.memory_space<hbm>> -> memref<192x32xf32, #tpu.memory_space<hbm>>
      %dma_wait3A_306 = arith.constant 0 : i32
      %dma_wait3A_307 = arith.constant 0 : i32
      %dma_wait3A_308 = tpu.memref_slice %arg7[%dma_wait3A_306, %dma_wait3A_307] : memref<832x32xf32, #tpu.memory_space<vmem>> -> memref<192x32xf32, #tpu.memory_space<vmem>>
      %dma_wait3A_309 = arith.constant 0 : i32
      %dma_wait3A_310 = arith.constant 0 : i32
      %dma_wait3A_311 = tpu.memref_slice %arg3[%dma_wait3A_309, %dma_wait3A_310] : memref<2600001x32xf32, #tpu.memory_space<hbm>> -> memref<192x32xf32, #tpu.memory_space<hbm>>
      tpu.wait_dma2 semaphore(%arg11 : memref<!tpu.dma_semaphore, #tpu.memory_space<semaphore_mem>>) src(%dma_wait3A_311 : memref<192x32xf32, #tpu.memory_space<hbm>>) dst(%dma_wait3A_308 : memref<192x32xf32, #tpu.memory_space<vmem>>)
      %dma_wait3A_312 = arith.constant 0 : i32
      %dma_wait3A_313 = arith.constant 0 : i32
      %dma_wait3A_314 = tpu.memref_slice %arg7[%dma_wait3A_312, %dma_wait3A_313] : memref<832x32xf32, #tpu.memory_space<vmem>> -> memref<192x32xf32, #tpu.memory_space<vmem>>
      %dma_wait3A_315 = arith.constant 0 : i32
      %dma_wait3A_316 = arith.constant 0 : i32
      %dma_wait3A_317 = tpu.memref_slice %arg3[%dma_wait3A_315, %dma_wait3A_316] : memref<2600001x32xf32, #tpu.memory_space<hbm>> -> memref<192x32xf32, #tpu.memory_space<hbm>>
      %dma_wait3A_318 = arith.constant 0 : i32
      %dma_wait3A_319 = arith.constant 0 : i32
      %dma_wait3A_320 = tpu.memref_slice %arg7[%dma_wait3A_318, %dma_wait3A_319] : memref<832x32xf32, #tpu.memory_space<vmem>> -> memref<192x32xf32, #tpu.memory_space<vmem>>
      %dma_wait3A_321 = arith.constant 0 : i32
      %dma_wait3A_322 = arith.constant 0 : i32
      %dma_wait3A_323 = tpu.memref_slice %arg3[%dma_wait3A_321, %dma_wait3A_322] : memref<2600001x32xf32, #tpu.memory_space<hbm>> -> memref<192x32xf32, #tpu.memory_space<hbm>>
      tpu.wait_dma2 semaphore(%arg12 : memref<!tpu.dma_semaphore, #tpu.memory_space<semaphore_mem>>) src(%dma_wait3A_323 : memref<192x32xf32, #tpu.memory_space<hbm>>) dst(%dma_wait3A_320 : memref<192x32xf32, #tpu.memory_space<vmem>>)
      %scan3A_324 = arith.constant 0 : i32
      %scan3A_325 = arith.constant 0 : i32
      %scan3A_326 = arith.constant 32 : i32
      %scan3A_327 = arith.addi %scan3A_325, %scan3A_326 : i32
      %scan3A_328 = arith.constant 1 : i32
      scf.for %scan3A_342 = %scan3A_325 to %scan3A_327 step %scan3A_328  : i32 {
        %mul3A_343 = arith.constant 26 : i32
        %mul3A_344 = arith.muli %scan3A_342, %mul3A_343 : i32
        %add3A_345 = arith.constant 0 : i32
        %add3A_346 = arith.addi %mul3A_344, %add3A_345 : i32
        %get3A_347 = arith.index_cast %add3A_346 : i32 to index
        %get3A_348 = arith.constant 0 : index
        %get3A_349 = tpu.vector_load %arg7[%get3A_347, %get3A_348] {strides = array<i32>} : memref<832x32xf32, #tpu.memory_space<vmem>>, vector<1x16xf32>,
        %get3A_350 = vector.shape_cast %get3A_349 : vector<1x16xf32> to vector<16xf32>
        %add3A_351 = arith.addf %get3A_350, %get3A_4 : vector<16xf32>
        %swap3A = arith.index_cast %add3A_346 : i32 to index
        %swap3A_352 = arith.constant 0 : index
        %swap3A_353 = tpu.vector_load %arg7[%swap3A, %swap3A_352] {strides = array<i32>} : memref<832x32xf32, #tpu.memory_space<vmem>>, vector<1x16xf32>,
        %swap3A_354 = vector.shape_cast %swap3A_353 : vector<1x16xf32> to vector<16xf32>
        %swap3A_355 = vector.shape_cast %add3A_351 : vector<16xf32> to vector<1x16xf32>
        tpu.vector_store %arg7[%swap3A, %swap3A_352], %swap3A_355 {strides = array<i32>} : memref<832x32xf32, #tpu.memory_space<vmem>>, vector<1x16xf32>,
        %mul3A_356 = arith.constant 26 : i32
        %mul3A_357 = arith.muli %scan3A_342, %mul3A_356 : i32
        %add3A_358 = arith.constant 0 : i32
        %add3A_359 = arith.addi %mul3A_357, %add3A_358 : i32
        %get3A_360 = arith.index_cast %add3A_359 : i32 to index
        %get3A_361 = arith.constant 16 : index
        %get3A_362 = tpu.vector_load %arg7[%get3A_360, %get3A_361] {strides = array<i32>} : memref<832x32xf32, #tpu.memory_space<vmem>>, vector<1x16xf32>,
        %get3A_363 = vector.shape_cast %get3A_362 : vector<1x16xf32> to vector<16xf32>
        %add3A_364 = arith.addf %get3A_363, %get3A_9 : vector<16xf32>
        %swap3A_365 = arith.index_cast %add3A_359 : i32 to index
        %swap3A_366 = arith.constant 16 : index
        %swap3A_367 = tpu.vector_load %arg7[%swap3A_365, %swap3A_366] {strides = array<i32>} : memref<832x32xf32, #tpu.memory_space<vmem>>, vector<1x16xf32>,
        %swap3A_368 = vector.shape_cast %swap3A_367 : vector<1x16xf32> to vector<16xf32>
        %swap3A_369 = vector.shape_cast %add3A_364 : vector<16xf32> to vector<1x16xf32>
        tpu.vector_store %arg7[%swap3A_365, %swap3A_366], %swap3A_369 {strides = array<i32>} : memref<832x32xf32, #tpu.memory_space<vmem>>, vector<1x16xf32>,
        %mul3A_370 = arith.constant 26 : i32
        %mul3A_371 = arith.muli %scan3A_342, %mul3A_370 : i32
        %add3A_372 = arith.constant 1 : i32
        %add3A_373 = arith.addi %mul3A_371, %add3A_372 : i32
        %get3A_374 = arith.index_cast %add3A_373 : i32 to index
        %get3A_375 = arith.constant 0 : index
        %get3A_376 = tpu.vector_load %arg7[%get3A_374, %get3A_375] {strides = array<i32>} : memref<832x32xf32, #tpu.memory_space<vmem>>, vector<1x16xf32>,
        %get3A_377 = vector.shape_cast %get3A_376 : vector<1x16xf32> to vector<16xf32>
        %add3A_378 = arith.addf %get3A_377, %get3A_14 : vector<16xf32>
        %swap3A_379 = arith.index_cast %add3A_373 : i32 to index
        %swap3A_380 = arith.constant 0 : index
        %swap3A_381 = tpu.vector_load %arg7[%swap3A_379, %swap3A_380] {strides = array<i32>} : memref<832x32xf32, #tpu.memory_space<vmem>>, vector<1x16xf32>,
        %swap3A_382 = vector.shape_cast %swap3A_381 : vector<1x16xf32> to vector<16xf32>
        %swap3A_383 = vector.shape_cast %add3A_378 : vector<16xf32> to vector<1x16xf32>
        tpu.vector_store %arg7[%swap3A_379, %swap3A_380], %swap3A_383 {strides = array<i32>} : memref<832x32xf32, #tpu.memory_space<vmem>>, vector<1x16xf32>,
        %mul3A_384 = arith.constant 26 : i32
        %mul3A_385 = arith.muli %scan3A_342, %mul3A_384 : i32
        %add3A_386 = arith.constant 1 : i32
        %add3A_387 = arith.addi %mul3A_385, %add3A_386 : i32
        %get3A_388 = arith.index_cast %add3A_387 : i32 to index
        %get3A_389 = arith.constant 16 : index
        %get3A_390 = tpu.vector_load %arg7[%get3A_388, %get3A_389] {strides = array<i32>} : memref<832x32xf32, #tpu.memory_space<vmem>>, vector<1x16xf32>,
        %get3A_391 = vector.shape_cast %get3A_390 : vector<1x16xf32> to vector<16xf32>
        %add3A_392 = arith.addf %get3A_391, %get3A_19 : vector<16xf32>
        %swap3A_393 = arith.index_cast %add3A_387 : i32 to index
        %swap3A_394 = arith.constant 16 : index
        %swap3A_395 = tpu.vector_load %arg7[%swap3A_393, %swap3A_394] {strides = array<i32>} : memref<832x32xf32, #tpu.memory_space<vmem>>, vector<1x16xf32>,
        %swap3A_396 = vector.shape_cast %swap3A_395 : vector<1x16xf32> to vector<16xf32>
        %swap3A_397 = vector.shape_cast %add3A_392 : vector<16xf32> to vector<1x16xf32>
        tpu.vector_store %arg7[%swap3A_393, %swap3A_394], %swap3A_397 {strides = array<i32>} : memref<832x32xf32, #tpu.memory_space<vmem>>, vector<1x16xf32>,
        %mul3A_398 = arith.constant 26 : i32
        %mul3A_399 = arith.muli %scan3A_342, %mul3A_398 : i32
        %add3A_400 = arith.constant 2 : i32
        %add3A_401 = arith.addi %mul3A_399, %add3A_400 : i32
        %get3A_402 = arith.index_cast %add3A_401 : i32 to index
        %get3A_403 = arith.constant 0 : index
        %get3A_404 = tpu.vector_load %arg7[%get3A_402, %get3A_403] {strides = array<i32>} : memref<832x32xf32, #tpu.memory_space<vmem>>, vector<1x16xf32>,
        %get3A_405 = vector.shape_cast %get3A_404 : vector<1x16xf32> to vector<16xf32>
        %add3A_406 = arith.addf %get3A_405, %get3A_24 : vector<16xf32>
        %swap3A_407 = arith.index_cast %add3A_401 : i32 to index
        %swap3A_408 = arith.constant 0 : index
        %swap3A_409 = tpu.vector_load %arg7[%swap3A_407, %swap3A_408] {strides = array<i32>} : memref<832x32xf32, #tpu.memory_space<vmem>>, vector<1x16xf32>,
        %swap3A_410 = vector.shape_cast %swap3A_409 : vector<1x16xf32> to vector<16xf32>
        %swap3A_411 = vector.shape_cast %add3A_406 : vector<16xf32> to vector<1x16xf32>
        tpu.vector_store %arg7[%swap3A_407, %swap3A_408], %swap3A_411 {strides = array<i32>} : memref<832x32xf32, #tpu.memory_space<vmem>>, vector<1x16xf32>,
        %mul3A_412 = arith.constant 26 : i32
        %mul3A_413 = arith.muli %scan3A_342, %mul3A_412 : i32
        %add3A_414 = arith.constant 2 : i32
        %add3A_415 = arith.addi %mul3A_413, %add3A_414 : i32
        %get3A_416 = arith.index_cast %add3A_415 : i32 to index
        %get3A_417 = arith.constant 16 : index
        %get3A_418 = tpu.vector_load %arg7[%get3A_416, %get3A_417] {strides = array<i32>} : memref<832x32xf32, #tpu.memory_space<vmem>>, vector<1x16xf32>,
        %get3A_419 = vector.shape_cast %get3A_418 : vector<1x16xf32> to vector<16xf32>
        %add3A_420 = arith.addf %get3A_419, %get3A_29 : vector<16xf32>
        %swap3A_421 = arith.index_cast %add3A_415 : i32 to index
        %swap3A_422 = arith.constant 16 : index
        %swap3A_423 = tpu.vector_load %arg7[%swap3A_421, %swap3A_422] {strides = array<i32>} : memref<832x32xf32, #tpu.memory_space<vmem>>, vector<1x16xf32>,
        %swap3A_424 = vector.shape_cast %swap3A_423 : vector<1x16xf32> to vector<16xf32>
        %swap3A_425 = vector.shape_cast %add3A_420 : vector<16xf32> to vector<1x16xf32>
        tpu.vector_store %arg7[%swap3A_421, %swap3A_422], %swap3A_425 {strides = array<i32>} : memref<832x32xf32, #tpu.memory_space<vmem>>, vector<1x16xf32>,
        %mul3A_426 = arith.constant 26 : i32
        %mul3A_427 = arith.muli %scan3A_342, %mul3A_426 : i32
        %add3A_428 = arith.constant 3 : i32
        %add3A_429 = arith.addi %mul3A_427, %add3A_428 : i32
        %get3A_430 = arith.index_cast %add3A_429 : i32 to index
        %get3A_431 = arith.constant 0 : index
        %get3A_432 = tpu.vector_load %arg7[%get3A_430, %get3A_431] {strides = array<i32>} : memref<832x32xf32, #tpu.memory_space<vmem>>, vector<1x16xf32>,
        %get3A_433 = vector.shape_cast %get3A_432 : vector<1x16xf32> to vector<16xf32>
        %add3A_434 = arith.addf %get3A_433, %get3A_34 : vector<16xf32>
        %swap3A_435 = arith.index_cast %add3A_429 : i32 to index
        %swap3A_436 = arith.constant 0 : index
        %swap3A_437 = tpu.vector_load %arg7[%swap3A_435, %swap3A_436] {strides = array<i32>} : memref<832x32xf32, #tpu.memory_space<vmem>>, vector<1x16xf32>,
        %swap3A_438 = vector.shape_cast %swap3A_437 : vector<1x16xf32> to vector<16xf32>
        %swap3A_439 = vector.shape_cast %add3A_434 : vector<16xf32> to vector<1x16xf32>
        tpu.vector_store %arg7[%swap3A_435, %swap3A_436], %swap3A_439 {strides = array<i32>} : memref<832x32xf32, #tpu.memory_space<vmem>>, vector<1x16xf32>,
        %mul3A_440 = arith.constant 26 : i32
        %mul3A_441 = arith.muli %scan3A_342, %mul3A_440 : i32
        %add3A_442 = arith.constant 3 : i32
        %add3A_443 = arith.addi %mul3A_441, %add3A_442 : i32
        %get3A_444 = arith.index_cast %add3A_443 : i32 to index
        %get3A_445 = arith.constant 16 : index
        %get3A_446 = tpu.vector_load %arg7[%get3A_444, %get3A_445] {strides = array<i32>} : memref<832x32xf32, #tpu.memory_space<vmem>>, vector<1x16xf32>,
        %get3A_447 = vector.shape_cast %get3A_446 : vector<1x16xf32> to vector<16xf32>
        %add3A_448 = arith.addf %get3A_447, %get3A_39 : vector<16xf32>
        %swap3A_449 = arith.index_cast %add3A_443 : i32 to index
        %swap3A_450 = arith.constant 16 : index
        %swap3A_451 = tpu.vector_load %arg7[%swap3A_449, %swap3A_450] {strides = array<i32>} : memref<832x32xf32, #tpu.memory_space<vmem>>, vector<1x16xf32>,
        %swap3A_452 = vector.shape_cast %swap3A_451 : vector<1x16xf32> to vector<16xf32>
        %swap3A_453 = vector.shape_cast %add3A_448 : vector<16xf32> to vector<1x16xf32>
        tpu.vector_store %arg7[%swap3A_449, %swap3A_450], %swap3A_453 {strides = array<i32>} : memref<832x32xf32, #tpu.memory_space<vmem>>, vector<1x16xf32>,
        %mul3A_454 = arith.constant 26 : i32
        %mul3A_455 = arith.muli %scan3A_342, %mul3A_454 : i32
        %add3A_456 = arith.constant 4 : i32
        %add3A_457 = arith.addi %mul3A_455, %add3A_456 : i32
        %get3A_458 = arith.index_cast %add3A_457 : i32 to index
        %get3A_459 = arith.constant 0 : index
        %get3A_460 = tpu.vector_load %arg7[%get3A_458, %get3A_459] {strides = array<i32>} : memref<832x32xf32, #tpu.memory_space<vmem>>, vector<1x16xf32>,
        %get3A_461 = vector.shape_cast %get3A_460 : vector<1x16xf32> to vector<16xf32>
        %add3A_462 = arith.addf %get3A_461, %get3A_44 : vector<16xf32>
        %swap3A_463 = arith.index_cast %add3A_457 : i32 to index
        %swap3A_464 = arith.constant 0 : index
        %swap3A_465 = tpu.vector_load %arg7[%swap3A_463, %swap3A_464] {strides = array<i32>} : memref<832x32xf32, #tpu.memory_space<vmem>>, vector<1x16xf32>,
        %swap3A_466 = vector.shape_cast %swap3A_465 : vector<1x16xf32> to vector<16xf32>
        %swap3A_467 = vector.shape_cast %add3A_462 : vector<16xf32> to vector<1x16xf32>
        tpu.vector_store %arg7[%swap3A_463, %swap3A_464], %swap3A_467 {strides = array<i32>} : memref<832x32xf32, #tpu.memory_space<vmem>>, vector<1x16xf32>,
        %mul3A_468 = arith.constant 26 : i32
        %mul3A_469 = arith.muli %scan3A_342, %mul3A_468 : i32
        %add3A_470 = arith.constant 4 : i32
        %add3A_471 = arith.addi %mul3A_469, %add3A_470 : i32
        %get3A_472 = arith.index_cast %add3A_471 : i32 to index
        %get3A_473 = arith.constant 16 : index
        %get3A_474 = tpu.vector_load %arg7[%get3A_472, %get3A_473] {strides = array<i32>} : memref<832x32xf32, #tpu.memory_space<vmem>>, vector<1x16xf32>,
        %get3A_475 = vector.shape_cast %get3A_474 : vector<1x16xf32> to vector<16xf32>
        %add3A_476 = arith.addf %get3A_475, %get3A_49 : vector<16xf32>
        %swap3A_477 = arith.index_cast %add3A_471 : i32 to index
        %swap3A_478 = arith.constant 16 : index
        %swap3A_479 = tpu.vector_load %arg7[%swap3A_477, %swap3A_478] {strides = array<i32>} : memref<832x32xf32, #tpu.memory_space<vmem>>, vector<1x16xf32>,
        %swap3A_480 = vector.shape_cast %swap3A_479 : vector<1x16xf32> to vector<16xf32>
        %swap3A_481 = vector.shape_cast %add3A_476 : vector<16xf32> to vector<1x16xf32>
        tpu.vector_store %arg7[%swap3A_477, %swap3A_478], %swap3A_481 {strides = array<i32>} : memref<832x32xf32, #tpu.memory_space<vmem>>, vector<1x16xf32>,
        %mul3A_482 = arith.constant 26 : i32
        %mul3A_483 = arith.muli %scan3A_342, %mul3A_482 : i32
        %add3A_484 = arith.constant 5 : i32
        %add3A_485 = arith.addi %mul3A_483, %add3A_484 : i32
        %get3A_486 = arith.index_cast %add3A_485 : i32 to index
        %get3A_487 = arith.constant 0 : index
        %get3A_488 = tpu.vector_load %arg7[%get3A_486, %get3A_487] {strides = array<i32>} : memref<832x32xf32, #tpu.memory_space<vmem>>, vector<1x16xf32>,
        %get3A_489 = vector.shape_cast %get3A_488 : vector<1x16xf32> to vector<16xf32>
        %add3A_490 = arith.addf %get3A_489, %get3A_54 : vector<16xf32>
        %swap3A_491 = arith.index_cast %add3A_485 : i32 to index
        %swap3A_492 = arith.constant 0 : index
        %swap3A_493 = tpu.vector_load %arg7[%swap3A_491, %swap3A_492] {strides = array<i32>} : memref<832x32xf32, #tpu.memory_space<vmem>>, vector<1x16xf32>,
        %swap3A_494 = vector.shape_cast %swap3A_493 : vector<1x16xf32> to vector<16xf32>
        %swap3A_495 = vector.shape_cast %add3A_490 : vector<16xf32> to vector<1x16xf32>
        tpu.vector_store %arg7[%swap3A_491, %swap3A_492], %swap3A_495 {strides = array<i32>} : memref<832x32xf32, #tpu.memory_space<vmem>>, vector<1x16xf32>,
        %mul3A_496 = arith.constant 26 : i32
        %mul3A_497 = arith.muli %scan3A_342, %mul3A_496 : i32
        %add3A_498 = arith.constant 5 : i32
        %add3A_499 = arith.addi %mul3A_497, %add3A_498 : i32
        %get3A_500 = arith.index_cast %add3A_499 : i32 to index
        %get3A_501 = arith.constant 16 : index
        %get3A_502 = tpu.vector_load %arg7[%get3A_500, %get3A_501] {strides = array<i32>} : memref<832x32xf32, #tpu.memory_space<vmem>>, vector<1x16xf32>,
        %get3A_503 = vector.shape_cast %get3A_502 : vector<1x16xf32> to vector<16xf32>
        %add3A_504 = arith.addf %get3A_503, %get3A_59 : vector<16xf32>
        %swap3A_505 = arith.index_cast %add3A_499 : i32 to index
        %swap3A_506 = arith.constant 16 : index
        %swap3A_507 = tpu.vector_load %arg7[%swap3A_505, %swap3A_506] {strides = array<i32>} : memref<832x32xf32, #tpu.memory_space<vmem>>, vector<1x16xf32>,
        %swap3A_508 = vector.shape_cast %swap3A_507 : vector<1x16xf32> to vector<16xf32>
        %swap3A_509 = vector.shape_cast %add3A_504 : vector<16xf32> to vector<1x16xf32>
        tpu.vector_store %arg7[%swap3A_505, %swap3A_506], %swap3A_509 {strides = array<i32>} : memref<832x32xf32, #tpu.memory_space<vmem>>, vector<1x16xf32>,
        %mul3A_510 = arith.constant 26 : i32
        %mul3A_511 = arith.muli %scan3A_342, %mul3A_510 : i32
        %add3A_512 = arith.constant 6 : i32
        %add3A_513 = arith.addi %mul3A_511, %add3A_512 : i32
        %get3A_514 = arith.index_cast %add3A_513 : i32 to index
        %get3A_515 = arith.constant 0 : index
        %get3A_516 = tpu.vector_load %arg7[%get3A_514, %get3A_515] {strides = array<i32>} : memref<832x32xf32, #tpu.memory_space<vmem>>, vector<1x16xf32>,
        %get3A_517 = vector.shape_cast %get3A_516 : vector<1x16xf32> to vector<16xf32>
        %add3A_518 = arith.addf %get3A_517, %get3A_64 : vector<16xf32>
        %swap3A_519 = arith.index_cast %add3A_513 : i32 to index
        %swap3A_520 = arith.constant 0 : index
        %swap3A_521 = tpu.vector_load %arg7[%swap3A_519, %swap3A_520] {strides = array<i32>} : memref<832x32xf32, #tpu.memory_space<vmem>>, vector<1x16xf32>,
        %swap3A_522 = vector.shape_cast %swap3A_521 : vector<1x16xf32> to vector<16xf32>
        %swap3A_523 = vector.shape_cast %add3A_518 : vector<16xf32> to vector<1x16xf32>
        tpu.vector_store %arg7[%swap3A_519, %swap3A_520], %swap3A_523 {strides = array<i32>} : memref<832x32xf32, #tpu.memory_space<vmem>>, vector<1x16xf32>,
        %mul3A_524 = arith.constant 26 : i32
        %mul3A_525 = arith.muli %scan3A_342, %mul3A_524 : i32
        %add3A_526 = arith.constant 6 : i32
        %add3A_527 = arith.addi %mul3A_525, %add3A_526 : i32
        %get3A_528 = arith.index_cast %add3A_527 : i32 to index
        %get3A_529 = arith.constant 16 : index
        %get3A_530 = tpu.vector_load %arg7[%get3A_528, %get3A_529] {strides = array<i32>} : memref<832x32xf32, #tpu.memory_space<vmem>>, vector<1x16xf32>,
        %get3A_531 = vector.shape_cast %get3A_530 : vector<1x16xf32> to vector<16xf32>
        %add3A_532 = arith.addf %get3A_531, %get3A_69 : vector<16xf32>
        %swap3A_533 = arith.index_cast %add3A_527 : i32 to index
        %swap3A_534 = arith.constant 16 : index
        %swap3A_535 = tpu.vector_load %arg7[%swap3A_533, %swap3A_534] {strides = array<i32>} : memref<832x32xf32, #tpu.memory_space<vmem>>, vector<1x16xf32>,
        %swap3A_536 = vector.shape_cast %swap3A_535 : vector<1x16xf32> to vector<16xf32>
        %swap3A_537 = vector.shape_cast %add3A_532 : vector<16xf32> to vector<1x16xf32>
        tpu.vector_store %arg7[%swap3A_533, %swap3A_534], %swap3A_537 {strides = array<i32>} : memref<832x32xf32, #tpu.memory_space<vmem>>, vector<1x16xf32>,
        %mul3A_538 = arith.constant 26 : i32
        %mul3A_539 = arith.muli %scan3A_342, %mul3A_538 : i32
        %add3A_540 = arith.constant 7 : i32
        %add3A_541 = arith.addi %mul3A_539, %add3A_540 : i32
        %get3A_542 = arith.index_cast %add3A_541 : i32 to index
        %get3A_543 = arith.constant 0 : index
        %get3A_544 = tpu.vector_load %arg7[%get3A_542, %get3A_543] {strides = array<i32>} : memref<832x32xf32, #tpu.memory_space<vmem>>, vector<1x16xf32>,
        %get3A_545 = vector.shape_cast %get3A_544 : vector<1x16xf32> to vector<16xf32>
        %add3A_546 = arith.addf %get3A_545, %get3A_74 : vector<16xf32>
        %swap3A_547 = arith.index_cast %add3A_541 : i32 to index
        %swap3A_548 = arith.constant 0 : index
        %swap3A_549 = tpu.vector_load %arg7[%swap3A_547, %swap3A_548] {strides = array<i32>} : memref<832x32xf32, #tpu.memory_space<vmem>>, vector<1x16xf32>,
        %swap3A_550 = vector.shape_cast %swap3A_549 : vector<1x16xf32> to vector<16xf32>
        %swap3A_551 = vector.shape_cast %add3A_546 : vector<16xf32> to vector<1x16xf32>
        tpu.vector_store %arg7[%swap3A_547, %swap3A_548], %swap3A_551 {strides = array<i32>} : memref<832x32xf32, #tpu.memory_space<vmem>>, vector<1x16xf32>,
        %mul3A_552 = arith.constant 26 : i32
        %mul3A_553 = arith.muli %scan3A_342, %mul3A_552 : i32
        %add3A_554 = arith.constant 7 : i32
        %add3A_555 = arith.addi %mul3A_553, %add3A_554 : i32
        %get3A_556 = arith.index_cast %add3A_555 : i32 to index
        %get3A_557 = arith.constant 16 : index
        %get3A_558 = tpu.vector_load %arg7[%get3A_556, %get3A_557] {strides = array<i32>} : memref<832x32xf32, #tpu.memory_space<vmem>>, vector<1x16xf32>,
        %get3A_559 = vector.shape_cast %get3A_558 : vector<1x16xf32> to vector<16xf32>
        %add3A_560 = arith.addf %get3A_559, %get3A_79 : vector<16xf32>
        %swap3A_561 = arith.index_cast %add3A_555 : i32 to index
        %swap3A_562 = arith.constant 16 : index
        %swap3A_563 = tpu.vector_load %arg7[%swap3A_561, %swap3A_562] {strides = array<i32>} : memref<832x32xf32, #tpu.memory_space<vmem>>, vector<1x16xf32>,
        %swap3A_564 = vector.shape_cast %swap3A_563 : vector<1x16xf32> to vector<16xf32>
        %swap3A_565 = vector.shape_cast %add3A_560 : vector<16xf32> to vector<1x16xf32>
        tpu.vector_store %arg7[%swap3A_561, %swap3A_562], %swap3A_565 {strides = array<i32>} : memref<832x32xf32, #tpu.memory_space<vmem>>, vector<1x16xf32>,
        %mul3A_566 = arith.constant 26 : i32
        %mul3A_567 = arith.muli %scan3A_342, %mul3A_566 : i32
        %add3A_568 = arith.constant 8 : i32
        %add3A_569 = arith.addi %mul3A_567, %add3A_568 : i32
        %get3A_570 = arith.index_cast %add3A_569 : i32 to index
        %get3A_571 = arith.constant 0 : index
        %get3A_572 = tpu.vector_load %arg7[%get3A_570, %get3A_571] {strides = array<i32>} : memref<832x32xf32, #tpu.memory_space<vmem>>, vector<1x16xf32>,
        %get3A_573 = vector.shape_cast %get3A_572 : vector<1x16xf32> to vector<16xf32>
        %add3A_574 = arith.addf %get3A_573, %get3A_84 : vector<16xf32>
        %swap3A_575 = arith.index_cast %add3A_569 : i32 to index
        %swap3A_576 = arith.constant 0 : index
        %swap3A_577 = tpu.vector_load %arg7[%swap3A_575, %swap3A_576] {strides = array<i32>} : memref<832x32xf32, #tpu.memory_space<vmem>>, vector<1x16xf32>,
        %swap3A_578 = vector.shape_cast %swap3A_577 : vector<1x16xf32> to vector<16xf32>
        %swap3A_579 = vector.shape_cast %add3A_574 : vector<16xf32> to vector<1x16xf32>
        tpu.vector_store %arg7[%swap3A_575, %swap3A_576], %swap3A_579 {strides = array<i32>} : memref<832x32xf32, #tpu.memory_space<vmem>>, vector<1x16xf32>,
        %mul3A_580 = arith.constant 26 : i32
        %mul3A_581 = arith.muli %scan3A_342, %mul3A_580 : i32
        %add3A_582 = arith.constant 8 : i32
        %add3A_583 = arith.addi %mul3A_581, %add3A_582 : i32
        %get3A_584 = arith.index_cast %add3A_583 : i32 to index
        %get3A_585 = arith.constant 16 : index
        %get3A_586 = tpu.vector_load %arg7[%get3A_584, %get3A_585] {strides = array<i32>} : memref<832x32xf32, #tpu.memory_space<vmem>>, vector<1x16xf32>,
        %get3A_587 = vector.shape_cast %get3A_586 : vector<1x16xf32> to vector<16xf32>
        %add3A_588 = arith.addf %get3A_587, %get3A_89 : vector<16xf32>
        %swap3A_589 = arith.index_cast %add3A_583 : i32 to index
        %swap3A_590 = arith.constant 16 : index
        %swap3A_591 = tpu.vector_load %arg7[%swap3A_589, %swap3A_590] {strides = array<i32>} : memref<832x32xf32, #tpu.memory_space<vmem>>, vector<1x16xf32>,
        %swap3A_592 = vector.shape_cast %swap3A_591 : vector<1x16xf32> to vector<16xf32>
        %swap3A_593 = vector.shape_cast %add3A_588 : vector<16xf32> to vector<1x16xf32>
        tpu.vector_store %arg7[%swap3A_589, %swap3A_590], %swap3A_593 {strides = array<i32>} : memref<832x32xf32, #tpu.memory_space<vmem>>, vector<1x16xf32>,
        %mul3A_594 = arith.constant 26 : i32
        %mul3A_595 = arith.muli %scan3A_342, %mul3A_594 : i32
        %add3A_596 = arith.constant 9 : i32
        %add3A_597 = arith.addi %mul3A_595, %add3A_596 : i32
        %get3A_598 = arith.index_cast %add3A_597 : i32 to index
        %get3A_599 = arith.constant 0 : index
        %get3A_600 = tpu.vector_load %arg7[%get3A_598, %get3A_599] {strides = array<i32>} : memref<832x32xf32, #tpu.memory_space<vmem>>, vector<1x16xf32>,
        %get3A_601 = vector.shape_cast %get3A_600 : vector<1x16xf32> to vector<16xf32>
        %add3A_602 = arith.addf %get3A_601, %get3A_94 : vector<16xf32>
        %swap3A_603 = arith.index_cast %add3A_597 : i32 to index
        %swap3A_604 = arith.constant 0 : index
        %swap3A_605 = tpu.vector_load %arg7[%swap3A_603, %swap3A_604] {strides = array<i32>} : memref<832x32xf32, #tpu.memory_space<vmem>>, vector<1x16xf32>,
        %swap3A_606 = vector.shape_cast %swap3A_605 : vector<1x16xf32> to vector<16xf32>
        %swap3A_607 = vector.shape_cast %add3A_602 : vector<16xf32> to vector<1x16xf32>
        tpu.vector_store %arg7[%swap3A_603, %swap3A_604], %swap3A_607 {strides = array<i32>} : memref<832x32xf32, #tpu.memory_space<vmem>>, vector<1x16xf32>,
        %mul3A_608 = arith.constant 26 : i32
        %mul3A_609 = arith.muli %scan3A_342, %mul3A_608 : i32
        %add3A_610 = arith.constant 9 : i32
        %add3A_611 = arith.addi %mul3A_609, %add3A_610 : i32
        %get3A_612 = arith.index_cast %add3A_611 : i32 to index
        %get3A_613 = arith.constant 16 : index
        %get3A_614 = tpu.vector_load %arg7[%get3A_612, %get3A_613] {strides = array<i32>} : memref<832x32xf32, #tpu.memory_space<vmem>>, vector<1x16xf32>,
        %get3A_615 = vector.shape_cast %get3A_614 : vector<1x16xf32> to vector<16xf32>
        %add3A_616 = arith.addf %get3A_615, %get3A_99 : vector<16xf32>
        %swap3A_617 = arith.index_cast %add3A_611 : i32 to index
        %swap3A_618 = arith.constant 16 : index
        %swap3A_619 = tpu.vector_load %arg7[%swap3A_617, %swap3A_618] {strides = array<i32>} : memref<832x32xf32, #tpu.memory_space<vmem>>, vector<1x16xf32>,
        %swap3A_620 = vector.shape_cast %swap3A_619 : vector<1x16xf32> to vector<16xf32>
        %swap3A_621 = vector.shape_cast %add3A_616 : vector<16xf32> to vector<1x16xf32>
        tpu.vector_store %arg7[%swap3A_617, %swap3A_618], %swap3A_621 {strides = array<i32>} : memref<832x32xf32, #tpu.memory_space<vmem>>, vector<1x16xf32>,
        %mul3A_622 = arith.constant 26 : i32
        %mul3A_623 = arith.muli %scan3A_342, %mul3A_622 : i32
        %add3A_624 = arith.constant 10 : i32
        %add3A_625 = arith.addi %mul3A_623, %add3A_624 : i32
        %get3A_626 = arith.index_cast %add3A_625 : i32 to index
        %get3A_627 = arith.constant 0 : index
        %get3A_628 = tpu.vector_load %arg7[%get3A_626, %get3A_627] {strides = array<i32>} : memref<832x32xf32, #tpu.memory_space<vmem>>, vector<1x16xf32>,
        %get3A_629 = vector.shape_cast %get3A_628 : vector<1x16xf32> to vector<16xf32>
        %add3A_630 = arith.addf %get3A_629, %get3A_104 : vector<16xf32>
        %swap3A_631 = arith.index_cast %add3A_625 : i32 to index
        %swap3A_632 = arith.constant 0 : index
        %swap3A_633 = tpu.vector_load %arg7[%swap3A_631, %swap3A_632] {strides = array<i32>} : memref<832x32xf32, #tpu.memory_space<vmem>>, vector<1x16xf32>,
        %swap3A_634 = vector.shape_cast %swap3A_633 : vector<1x16xf32> to vector<16xf32>
        %swap3A_635 = vector.shape_cast %add3A_630 : vector<16xf32> to vector<1x16xf32>
        tpu.vector_store %arg7[%swap3A_631, %swap3A_632], %swap3A_635 {strides = array<i32>} : memref<832x32xf32, #tpu.memory_space<vmem>>, vector<1x16xf32>,
        %mul3A_636 = arith.constant 26 : i32
        %mul3A_637 = arith.muli %scan3A_342, %mul3A_636 : i32
        %add3A_638 = arith.constant 10 : i32
        %add3A_639 = arith.addi %mul3A_637, %add3A_638 : i32
        %get3A_640 = arith.index_cast %add3A_639 : i32 to index
        %get3A_641 = arith.constant 16 : index
        %get3A_642 = tpu.vector_load %arg7[%get3A_640, %get3A_641] {strides = array<i32>} : memref<832x32xf32, #tpu.memory_space<vmem>>, vector<1x16xf32>,
        %get3A_643 = vector.shape_cast %get3A_642 : vector<1x16xf32> to vector<16xf32>
        %add3A_644 = arith.addf %get3A_643, %get3A_109 : vector<16xf32>
        %swap3A_645 = arith.index_cast %add3A_639 : i32 to index
        %swap3A_646 = arith.constant 16 : index
        %swap3A_647 = tpu.vector_load %arg7[%swap3A_645, %swap3A_646] {strides = array<i32>} : memref<832x32xf32, #tpu.memory_space<vmem>>, vector<1x16xf32>,
        %swap3A_648 = vector.shape_cast %swap3A_647 : vector<1x16xf32> to vector<16xf32>
        %swap3A_649 = vector.shape_cast %add3A_644 : vector<16xf32> to vector<1x16xf32>
        tpu.vector_store %arg7[%swap3A_645, %swap3A_646], %swap3A_649 {strides = array<i32>} : memref<832x32xf32, #tpu.memory_space<vmem>>, vector<1x16xf32>,
        %mul3A_650 = arith.constant 26 : i32
        %mul3A_651 = arith.muli %scan3A_342, %mul3A_650 : i32
        %add3A_652 = arith.constant 11 : i32
        %add3A_653 = arith.addi %mul3A_651, %add3A_652 : i32
        %get3A_654 = arith.index_cast %add3A_653 : i32 to index
        %get3A_655 = arith.constant 0 : index
        %get3A_656 = tpu.vector_load %arg7[%get3A_654, %get3A_655] {strides = array<i32>} : memref<832x32xf32, #tpu.memory_space<vmem>>, vector<1x16xf32>,
        %get3A_657 = vector.shape_cast %get3A_656 : vector<1x16xf32> to vector<16xf32>
        %add3A_658 = arith.addf %get3A_657, %get3A_114 : vector<16xf32>
        %swap3A_659 = arith.index_cast %add3A_653 : i32 to index
        %swap3A_660 = arith.constant 0 : index
        %swap3A_661 = tpu.vector_load %arg7[%swap3A_659, %swap3A_660] {strides = array<i32>} : memref<832x32xf32, #tpu.memory_space<vmem>>, vector<1x16xf32>,
        %swap3A_662 = vector.shape_cast %swap3A_661 : vector<1x16xf32> to vector<16xf32>
        %swap3A_663 = vector.shape_cast %add3A_658 : vector<16xf32> to vector<1x16xf32>
        tpu.vector_store %arg7[%swap3A_659, %swap3A_660], %swap3A_663 {strides = array<i32>} : memref<832x32xf32, #tpu.memory_space<vmem>>, vector<1x16xf32>,
        %mul3A_664 = arith.constant 26 : i32
        %mul3A_665 = arith.muli %scan3A_342, %mul3A_664 : i32
        %add3A_666 = arith.constant 11 : i32
        %add3A_667 = arith.addi %mul3A_665, %add3A_666 : i32
        %get3A_668 = arith.index_cast %add3A_667 : i32 to index
        %get3A_669 = arith.constant 16 : index
        %get3A_670 = tpu.vector_load %arg7[%get3A_668, %get3A_669] {strides = array<i32>} : memref<832x32xf32, #tpu.memory_space<vmem>>, vector<1x16xf32>,
        %get3A_671 = vector.shape_cast %get3A_670 : vector<1x16xf32> to vector<16xf32>
        %add3A_672 = arith.addf %get3A_671, %get3A_119 : vector<16xf32>
        %swap3A_673 = arith.index_cast %add3A_667 : i32 to index
        %swap3A_674 = arith.constant 16 : index
        %swap3A_675 = tpu.vector_load %arg7[%swap3A_673, %swap3A_674] {strides = array<i32>} : memref<832x32xf32, #tpu.memory_space<vmem>>, vector<1x16xf32>,
        %swap3A_676 = vector.shape_cast %swap3A_675 : vector<1x16xf32> to vector<16xf32>
        %swap3A_677 = vector.shape_cast %add3A_672 : vector<16xf32> to vector<1x16xf32>
        tpu.vector_store %arg7[%swap3A_673, %swap3A_674], %swap3A_677 {strides = array<i32>} : memref<832x32xf32, #tpu.memory_space<vmem>>, vector<1x16xf32>,
        %mul3A_678 = arith.constant 26 : i32
        %mul3A_679 = arith.muli %scan3A_342, %mul3A_678 : i32
        %add3A_680 = arith.constant 12 : i32
        %add3A_681 = arith.addi %mul3A_679, %add3A_680 : i32
        %get3A_682 = arith.index_cast %add3A_681 : i32 to index
        %get3A_683 = arith.constant 0 : index
        %get3A_684 = tpu.vector_load %arg7[%get3A_682, %get3A_683] {strides = array<i32>} : memref<832x32xf32, #tpu.memory_space<vmem>>, vector<1x16xf32>,
        %get3A_685 = vector.shape_cast %get3A_684 : vector<1x16xf32> to vector<16xf32>
        %add3A_686 = arith.addf %get3A_685, %get3A_124 : vector<16xf32>
        %swap3A_687 = arith.index_cast %add3A_681 : i32 to index
        %swap3A_688 = arith.constant 0 : index
        %swap3A_689 = tpu.vector_load %arg7[%swap3A_687, %swap3A_688] {strides = array<i32>} : memref<832x32xf32, #tpu.memory_space<vmem>>, vector<1x16xf32>,
        %swap3A_690 = vector.shape_cast %swap3A_689 : vector<1x16xf32> to vector<16xf32>
        %swap3A_691 = vector.shape_cast %add3A_686 : vector<16xf32> to vector<1x16xf32>
        tpu.vector_store %arg7[%swap3A_687, %swap3A_688], %swap3A_691 {strides = array<i32>} : memref<832x32xf32, #tpu.memory_space<vmem>>, vector<1x16xf32>,
        %mul3A_692 = arith.constant 26 : i32
        %mul3A_693 = arith.muli %scan3A_342, %mul3A_692 : i32
        %add3A_694 = arith.constant 12 : i32
        %add3A_695 = arith.addi %mul3A_693, %add3A_694 : i32
        %get3A_696 = arith.index_cast %add3A_695 : i32 to index
        %get3A_697 = arith.constant 16 : index
        %get3A_698 = tpu.vector_load %arg7[%get3A_696, %get3A_697] {strides = array<i32>} : memref<832x32xf32, #tpu.memory_space<vmem>>, vector<1x16xf32>,
        %get3A_699 = vector.shape_cast %get3A_698 : vector<1x16xf32> to vector<16xf32>
        %add3A_700 = arith.addf %get3A_699, %get3A_129 : vector<16xf32>
        %swap3A_701 = arith.index_cast %add3A_695 : i32 to index
        %swap3A_702 = arith.constant 16 : index
        %swap3A_703 = tpu.vector_load %arg7[%swap3A_701, %swap3A_702] {strides = array<i32>} : memref<832x32xf32, #tpu.memory_space<vmem>>, vector<1x16xf32>,
        %swap3A_704 = vector.shape_cast %swap3A_703 : vector<1x16xf32> to vector<16xf32>
        %swap3A_705 = vector.shape_cast %add3A_700 : vector<16xf32> to vector<1x16xf32>
        tpu.vector_store %arg7[%swap3A_701, %swap3A_702], %swap3A_705 {strides = array<i32>} : memref<832x32xf32, #tpu.memory_space<vmem>>, vector<1x16xf32>,
        %mul3A_706 = arith.constant 26 : i32
        %mul3A_707 = arith.muli %scan3A_342, %mul3A_706 : i32
        %add3A_708 = arith.constant 13 : i32
        %add3A_709 = arith.addi %mul3A_707, %add3A_708 : i32
        %get3A_710 = arith.index_cast %add3A_709 : i32 to index
        %get3A_711 = arith.constant 0 : index
        %get3A_712 = tpu.vector_load %arg7[%get3A_710, %get3A_711] {strides = array<i32>} : memref<832x32xf32, #tpu.memory_space<vmem>>, vector<1x16xf32>,
        %get3A_713 = vector.shape_cast %get3A_712 : vector<1x16xf32> to vector<16xf32>
        %add3A_714 = arith.addf %get3A_713, %get3A_134 : vector<16xf32>
        %swap3A_715 = arith.index_cast %add3A_709 : i32 to index
        %swap3A_716 = arith.constant 0 : index
        %swap3A_717 = tpu.vector_load %arg7[%swap3A_715, %swap3A_716] {strides = array<i32>} : memref<832x32xf32, #tpu.memory_space<vmem>>, vector<1x16xf32>,
        %swap3A_718 = vector.shape_cast %swap3A_717 : vector<1x16xf32> to vector<16xf32>
        %swap3A_719 = vector.shape_cast %add3A_714 : vector<16xf32> to vector<1x16xf32>
        tpu.vector_store %arg7[%swap3A_715, %swap3A_716], %swap3A_719 {strides = array<i32>} : memref<832x32xf32, #tpu.memory_space<vmem>>, vector<1x16xf32>,
        %mul3A_720 = arith.constant 26 : i32
        %mul3A_721 = arith.muli %scan3A_342, %mul3A_720 : i32
        %add3A_722 = arith.constant 13 : i32
        %add3A_723 = arith.addi %mul3A_721, %add3A_722 : i32
        %get3A_724 = arith.index_cast %add3A_723 : i32 to index
        %get3A_725 = arith.constant 16 : index
        %get3A_726 = tpu.vector_load %arg7[%get3A_724, %get3A_725] {strides = array<i32>} : memref<832x32xf32, #tpu.memory_space<vmem>>, vector<1x16xf32>,
        %get3A_727 = vector.shape_cast %get3A_726 : vector<1x16xf32> to vector<16xf32>
        %add3A_728 = arith.addf %get3A_727, %get3A_139 : vector<16xf32>
        %swap3A_729 = arith.index_cast %add3A_723 : i32 to index
        %swap3A_730 = arith.constant 16 : index
        %swap3A_731 = tpu.vector_load %arg7[%swap3A_729, %swap3A_730] {strides = array<i32>} : memref<832x32xf32, #tpu.memory_space<vmem>>, vector<1x16xf32>,
        %swap3A_732 = vector.shape_cast %swap3A_731 : vector<1x16xf32> to vector<16xf32>
        %swap3A_733 = vector.shape_cast %add3A_728 : vector<16xf32> to vector<1x16xf32>
        tpu.vector_store %arg7[%swap3A_729, %swap3A_730], %swap3A_733 {strides = array<i32>} : memref<832x32xf32, #tpu.memory_space<vmem>>, vector<1x16xf32>,
        %mul3A_734 = arith.constant 26 : i32
        %mul3A_735 = arith.muli %scan3A_342, %mul3A_734 : i32
        %add3A_736 = arith.constant 14 : i32
        %add3A_737 = arith.addi %mul3A_735, %add3A_736 : i32
        %get3A_738 = arith.index_cast %add3A_737 : i32 to index
        %get3A_739 = arith.constant 0 : index
        %get3A_740 = tpu.vector_load %arg7[%get3A_738, %get3A_739] {strides = array<i32>} : memref<832x32xf32, #tpu.memory_space<vmem>>, vector<1x16xf32>,
        %get3A_741 = vector.shape_cast %get3A_740 : vector<1x16xf32> to vector<16xf32>
        %add3A_742 = arith.addf %get3A_741, %get3A_144 : vector<16xf32>
        %swap3A_743 = arith.index_cast %add3A_737 : i32 to index
        %swap3A_744 = arith.constant 0 : index
        %swap3A_745 = tpu.vector_load %arg7[%swap3A_743, %swap3A_744] {strides = array<i32>} : memref<832x32xf32, #tpu.memory_space<vmem>>, vector<1x16xf32>,
        %swap3A_746 = vector.shape_cast %swap3A_745 : vector<1x16xf32> to vector<16xf32>
        %swap3A_747 = vector.shape_cast %add3A_742 : vector<16xf32> to vector<1x16xf32>
        tpu.vector_store %arg7[%swap3A_743, %swap3A_744], %swap3A_747 {strides = array<i32>} : memref<832x32xf32, #tpu.memory_space<vmem>>, vector<1x16xf32>,
        %mul3A_748 = arith.constant 26 : i32
        %mul3A_749 = arith.muli %scan3A_342, %mul3A_748 : i32
        %add3A_750 = arith.constant 14 : i32
        %add3A_751 = arith.addi %mul3A_749, %add3A_750 : i32
        %get3A_752 = arith.index_cast %add3A_751 : i32 to index
        %get3A_753 = arith.constant 16 : index
        %get3A_754 = tpu.vector_load %arg7[%get3A_752, %get3A_753] {strides = array<i32>} : memref<832x32xf32, #tpu.memory_space<vmem>>, vector<1x16xf32>,
        %get3A_755 = vector.shape_cast %get3A_754 : vector<1x16xf32> to vector<16xf32>
        %add3A_756 = arith.addf %get3A_755, %get3A_149 : vector<16xf32>
        %swap3A_757 = arith.index_cast %add3A_751 : i32 to index
        %swap3A_758 = arith.constant 16 : index
        %swap3A_759 = tpu.vector_load %arg7[%swap3A_757, %swap3A_758] {strides = array<i32>} : memref<832x32xf32, #tpu.memory_space<vmem>>, vector<1x16xf32>,
        %swap3A_760 = vector.shape_cast %swap3A_759 : vector<1x16xf32> to vector<16xf32>
        %swap3A_761 = vector.shape_cast %add3A_756 : vector<16xf32> to vector<1x16xf32>
        tpu.vector_store %arg7[%swap3A_757, %swap3A_758], %swap3A_761 {strides = array<i32>} : memref<832x32xf32, #tpu.memory_space<vmem>>, vector<1x16xf32>,
        %mul3A_762 = arith.constant 26 : i32
        %mul3A_763 = arith.muli %scan3A_342, %mul3A_762 : i32
        %add3A_764 = arith.constant 15 : i32
        %add3A_765 = arith.addi %mul3A_763, %add3A_764 : i32
        %get3A_766 = arith.index_cast %add3A_765 : i32 to index
        %get3A_767 = arith.constant 0 : index
        %get3A_768 = tpu.vector_load %arg7[%get3A_766, %get3A_767] {strides = array<i32>} : memref<832x32xf32, #tpu.memory_space<vmem>>, vector<1x16xf32>,
        %get3A_769 = vector.shape_cast %get3A_768 : vector<1x16xf32> to vector<16xf32>
        %add3A_770 = arith.addf %get3A_769, %get3A_154 : vector<16xf32>
        %swap3A_771 = arith.index_cast %add3A_765 : i32 to index
        %swap3A_772 = arith.constant 0 : index
        %swap3A_773 = tpu.vector_load %arg7[%swap3A_771, %swap3A_772] {strides = array<i32>} : memref<832x32xf32, #tpu.memory_space<vmem>>, vector<1x16xf32>,
        %swap3A_774 = vector.shape_cast %swap3A_773 : vector<1x16xf32> to vector<16xf32>
        %swap3A_775 = vector.shape_cast %add3A_770 : vector<16xf32> to vector<1x16xf32>
        tpu.vector_store %arg7[%swap3A_771, %swap3A_772], %swap3A_775 {strides = array<i32>} : memref<832x32xf32, #tpu.memory_space<vmem>>, vector<1x16xf32>,
        %mul3A_776 = arith.constant 26 : i32
        %mul3A_777 = arith.muli %scan3A_342, %mul3A_776 : i32
        %add3A_778 = arith.constant 15 : i32
        %add3A_779 = arith.addi %mul3A_777, %add3A_778 : i32
        %get3A_780 = arith.index_cast %add3A_779 : i32 to index
        %get3A_781 = arith.constant 16 : index
        %get3A_782 = tpu.vector_load %arg7[%get3A_780, %get3A_781] {strides = array<i32>} : memref<832x32xf32, #tpu.memory_space<vmem>>, vector<1x16xf32>,
        %get3A_783 = vector.shape_cast %get3A_782 : vector<1x16xf32> to vector<16xf32>
        %add3A_784 = arith.addf %get3A_783, %get3A_159 : vector<16xf32>
        %swap3A_785 = arith.index_cast %add3A_779 : i32 to index
        %swap3A_786 = arith.constant 16 : index
        %swap3A_787 = tpu.vector_load %arg7[%swap3A_785, %swap3A_786] {strides = array<i32>} : memref<832x32xf32, #tpu.memory_space<vmem>>, vector<1x16xf32>,
        %swap3A_788 = vector.shape_cast %swap3A_787 : vector<1x16xf32> to vector<16xf32>
        %swap3A_789 = vector.shape_cast %add3A_784 : vector<16xf32> to vector<1x16xf32>
        tpu.vector_store %arg7[%swap3A_785, %swap3A_786], %swap3A_789 {strides = array<i32>} : memref<832x32xf32, #tpu.memory_space<vmem>>, vector<1x16xf32>,
        %mul3A_790 = arith.constant 26 : i32
        %mul3A_791 = arith.muli %scan3A_342, %mul3A_790 : i32
        %add3A_792 = arith.constant 16 : i32
        %add3A_793 = arith.addi %mul3A_791, %add3A_792 : i32
        %get3A_794 = arith.index_cast %add3A_793 : i32 to index
        %get3A_795 = arith.constant 0 : index
        %get3A_796 = tpu.vector_load %arg7[%get3A_794, %get3A_795] {strides = array<i32>} : memref<832x32xf32, #tpu.memory_space<vmem>>, vector<1x16xf32>,
        %get3A_797 = vector.shape_cast %get3A_796 : vector<1x16xf32> to vector<16xf32>
        %add3A_798 = arith.addf %get3A_797, %get3A_164 : vector<16xf32>
        %swap3A_799 = arith.index_cast %add3A_793 : i32 to index
        %swap3A_800 = arith.constant 0 : index
        %swap3A_801 = tpu.vector_load %arg7[%swap3A_799, %swap3A_800] {strides = array<i32>} : memref<832x32xf32, #tpu.memory_space<vmem>>, vector<1x16xf32>,
        %swap3A_802 = vector.shape_cast %swap3A_801 : vector<1x16xf32> to vector<16xf32>
        %swap3A_803 = vector.shape_cast %add3A_798 : vector<16xf32> to vector<1x16xf32>
        tpu.vector_store %arg7[%swap3A_799, %swap3A_800], %swap3A_803 {strides = array<i32>} : memref<832x32xf32, #tpu.memory_space<vmem>>, vector<1x16xf32>,
        %mul3A_804 = arith.constant 26 : i32
        %mul3A_805 = arith.muli %scan3A_342, %mul3A_804 : i32
        %add3A_806 = arith.constant 16 : i32
        %add3A_807 = arith.addi %mul3A_805, %add3A_806 : i32
        %get3A_808 = arith.index_cast %add3A_807 : i32 to index
        %get3A_809 = arith.constant 16 : index
        %get3A_810 = tpu.vector_load %arg7[%get3A_808, %get3A_809] {strides = array<i32>} : memref<832x32xf32, #tpu.memory_space<vmem>>, vector<1x16xf32>,
        %get3A_811 = vector.shape_cast %get3A_810 : vector<1x16xf32> to vector<16xf32>
        %add3A_812 = arith.addf %get3A_811, %get3A_169 : vector<16xf32>
        %swap3A_813 = arith.index_cast %add3A_807 : i32 to index
        %swap3A_814 = arith.constant 16 : index
        %swap3A_815 = tpu.vector_load %arg7[%swap3A_813, %swap3A_814] {strides = array<i32>} : memref<832x32xf32, #tpu.memory_space<vmem>>, vector<1x16xf32>,
        %swap3A_816 = vector.shape_cast %swap3A_815 : vector<1x16xf32> to vector<16xf32>
        %swap3A_817 = vector.shape_cast %add3A_812 : vector<16xf32> to vector<1x16xf32>
        tpu.vector_store %arg7[%swap3A_813, %swap3A_814], %swap3A_817 {strides = array<i32>} : memref<832x32xf32, #tpu.memory_space<vmem>>, vector<1x16xf32>,
        %mul3A_818 = arith.constant 26 : i32
        %mul3A_819 = arith.muli %scan3A_342, %mul3A_818 : i32
        %add3A_820 = arith.constant 17 : i32
        %add3A_821 = arith.addi %mul3A_819, %add3A_820 : i32
        %get3A_822 = arith.index_cast %add3A_821 : i32 to index
        %get3A_823 = arith.constant 0 : index
        %get3A_824 = tpu.vector_load %arg7[%get3A_822, %get3A_823] {strides = array<i32>} : memref<832x32xf32, #tpu.memory_space<vmem>>, vector<1x16xf32>,
        %get3A_825 = vector.shape_cast %get3A_824 : vector<1x16xf32> to vector<16xf32>
        %add3A_826 = arith.addf %get3A_825, %get3A_174 : vector<16xf32>
        %swap3A_827 = arith.index_cast %add3A_821 : i32 to index
        %swap3A_828 = arith.constant 0 : index
        %swap3A_829 = tpu.vector_load %arg7[%swap3A_827, %swap3A_828] {strides = array<i32>} : memref<832x32xf32, #tpu.memory_space<vmem>>, vector<1x16xf32>,
        %swap3A_830 = vector.shape_cast %swap3A_829 : vector<1x16xf32> to vector<16xf32>
        %swap3A_831 = vector.shape_cast %add3A_826 : vector<16xf32> to vector<1x16xf32>
        tpu.vector_store %arg7[%swap3A_827, %swap3A_828], %swap3A_831 {strides = array<i32>} : memref<832x32xf32, #tpu.memory_space<vmem>>, vector<1x16xf32>,
        %mul3A_832 = arith.constant 26 : i32
        %mul3A_833 = arith.muli %scan3A_342, %mul3A_832 : i32
        %add3A_834 = arith.constant 17 : i32
        %add3A_835 = arith.addi %mul3A_833, %add3A_834 : i32
        %get3A_836 = arith.index_cast %add3A_835 : i32 to index
        %get3A_837 = arith.constant 16 : index
        %get3A_838 = tpu.vector_load %arg7[%get3A_836, %get3A_837] {strides = array<i32>} : memref<832x32xf32, #tpu.memory_space<vmem>>, vector<1x16xf32>,
        %get3A_839 = vector.shape_cast %get3A_838 : vector<1x16xf32> to vector<16xf32>
        %add3A_840 = arith.addf %get3A_839, %get3A_179 : vector<16xf32>
        %swap3A_841 = arith.index_cast %add3A_835 : i32 to index
        %swap3A_842 = arith.constant 16 : index
        %swap3A_843 = tpu.vector_load %arg7[%swap3A_841, %swap3A_842] {strides = array<i32>} : memref<832x32xf32, #tpu.memory_space<vmem>>, vector<1x16xf32>,
        %swap3A_844 = vector.shape_cast %swap3A_843 : vector<1x16xf32> to vector<16xf32>
        %swap3A_845 = vector.shape_cast %add3A_840 : vector<16xf32> to vector<1x16xf32>
        tpu.vector_store %arg7[%swap3A_841, %swap3A_842], %swap3A_845 {strides = array<i32>} : memref<832x32xf32, #tpu.memory_space<vmem>>, vector<1x16xf32>,
        %mul3A_846 = arith.constant 26 : i32
        %mul3A_847 = arith.muli %scan3A_342, %mul3A_846 : i32
        %add3A_848 = arith.constant 18 : i32
        %add3A_849 = arith.addi %mul3A_847, %add3A_848 : i32
        %get3A_850 = arith.index_cast %add3A_849 : i32 to index
        %get3A_851 = arith.constant 0 : index
        %get3A_852 = tpu.vector_load %arg7[%get3A_850, %get3A_851] {strides = array<i32>} : memref<832x32xf32, #tpu.memory_space<vmem>>, vector<1x16xf32>,
        %get3A_853 = vector.shape_cast %get3A_852 : vector<1x16xf32> to vector<16xf32>
        %add3A_854 = arith.addf %get3A_853, %get3A_184 : vector<16xf32>
        %swap3A_855 = arith.index_cast %add3A_849 : i32 to index
        %swap3A_856 = arith.constant 0 : index
        %swap3A_857 = tpu.vector_load %arg7[%swap3A_855, %swap3A_856] {strides = array<i32>} : memref<832x32xf32, #tpu.memory_space<vmem>>, vector<1x16xf32>,
        %swap3A_858 = vector.shape_cast %swap3A_857 : vector<1x16xf32> to vector<16xf32>
        %swap3A_859 = vector.shape_cast %add3A_854 : vector<16xf32> to vector<1x16xf32>
        tpu.vector_store %arg7[%swap3A_855, %swap3A_856], %swap3A_859 {strides = array<i32>} : memref<832x32xf32, #tpu.memory_space<vmem>>, vector<1x16xf32>,
        %mul3A_860 = arith.constant 26 : i32
        %mul3A_861 = arith.muli %scan3A_342, %mul3A_860 : i32
        %add3A_862 = arith.constant 18 : i32
        %add3A_863 = arith.addi %mul3A_861, %add3A_862 : i32
        %get3A_864 = arith.index_cast %add3A_863 : i32 to index
        %get3A_865 = arith.constant 16 : index
        %get3A_866 = tpu.vector_load %arg7[%get3A_864, %get3A_865] {strides = array<i32>} : memref<832x32xf32, #tpu.memory_space<vmem>>, vector<1x16xf32>,
        %get3A_867 = vector.shape_cast %get3A_866 : vector<1x16xf32> to vector<16xf32>
        %add3A_868 = arith.addf %get3A_867, %get3A_189 : vector<16xf32>
        %swap3A_869 = arith.index_cast %add3A_863 : i32 to index
        %swap3A_870 = arith.constant 16 : index
        %swap3A_871 = tpu.vector_load %arg7[%swap3A_869, %swap3A_870] {strides = array<i32>} : memref<832x32xf32, #tpu.memory_space<vmem>>, vector<1x16xf32>,
        %swap3A_872 = vector.shape_cast %swap3A_871 : vector<1x16xf32> to vector<16xf32>
        %swap3A_873 = vector.shape_cast %add3A_868 : vector<16xf32> to vector<1x16xf32>
        tpu.vector_store %arg7[%swap3A_869, %swap3A_870], %swap3A_873 {strides = array<i32>} : memref<832x32xf32, #tpu.memory_space<vmem>>, vector<1x16xf32>,
        %mul3A_874 = arith.constant 26 : i32
        %mul3A_875 = arith.muli %scan3A_342, %mul3A_874 : i32
        %add3A_876 = arith.constant 19 : i32
        %add3A_877 = arith.addi %mul3A_875, %add3A_876 : i32
        %get3A_878 = arith.index_cast %add3A_877 : i32 to index
        %get3A_879 = arith.constant 0 : index
        %get3A_880 = tpu.vector_load %arg7[%get3A_878, %get3A_879] {strides = array<i32>} : memref<832x32xf32, #tpu.memory_space<vmem>>, vector<1x16xf32>,
        %get3A_881 = vector.shape_cast %get3A_880 : vector<1x16xf32> to vector<16xf32>
        %add3A_882 = arith.addf %get3A_881, %get3A_194 : vector<16xf32>
        %swap3A_883 = arith.index_cast %add3A_877 : i32 to index
        %swap3A_884 = arith.constant 0 : index
        %swap3A_885 = tpu.vector_load %arg7[%swap3A_883, %swap3A_884] {strides = array<i32>} : memref<832x32xf32, #tpu.memory_space<vmem>>, vector<1x16xf32>,
        %swap3A_886 = vector.shape_cast %swap3A_885 : vector<1x16xf32> to vector<16xf32>
        %swap3A_887 = vector.shape_cast %add3A_882 : vector<16xf32> to vector<1x16xf32>
        tpu.vector_store %arg7[%swap3A_883, %swap3A_884], %swap3A_887 {strides = array<i32>} : memref<832x32xf32, #tpu.memory_space<vmem>>, vector<1x16xf32>,
        %mul3A_888 = arith.constant 26 : i32
        %mul3A_889 = arith.muli %scan3A_342, %mul3A_888 : i32
        %add3A_890 = arith.constant 19 : i32
        %add3A_891 = arith.addi %mul3A_889, %add3A_890 : i32
        %get3A_892 = arith.index_cast %add3A_891 : i32 to index
        %get3A_893 = arith.constant 16 : index
        %get3A_894 = tpu.vector_load %arg7[%get3A_892, %get3A_893] {strides = array<i32>} : memref<832x32xf32, #tpu.memory_space<vmem>>, vector<1x16xf32>,
        %get3A_895 = vector.shape_cast %get3A_894 : vector<1x16xf32> to vector<16xf32>
        %add3A_896 = arith.addf %get3A_895, %get3A_199 : vector<16xf32>
        %swap3A_897 = arith.index_cast %add3A_891 : i32 to index
        %swap3A_898 = arith.constant 16 : index
        %swap3A_899 = tpu.vector_load %arg7[%swap3A_897, %swap3A_898] {strides = array<i32>} : memref<832x32xf32, #tpu.memory_space<vmem>>, vector<1x16xf32>,
        %swap3A_900 = vector.shape_cast %swap3A_899 : vector<1x16xf32> to vector<16xf32>
        %swap3A_901 = vector.shape_cast %add3A_896 : vector<16xf32> to vector<1x16xf32>
        tpu.vector_store %arg7[%swap3A_897, %swap3A_898], %swap3A_901 {strides = array<i32>} : memref<832x32xf32, #tpu.memory_space<vmem>>, vector<1x16xf32>,
        %mul3A_902 = arith.constant 26 : i32
        %mul3A_903 = arith.muli %scan3A_342, %mul3A_902 : i32
        %add3A_904 = arith.constant 20 : i32
        %add3A_905 = arith.addi %mul3A_903, %add3A_904 : i32
        %get3A_906 = arith.index_cast %add3A_905 : i32 to index
        %get3A_907 = arith.constant 0 : index
        %get3A_908 = tpu.vector_load %arg7[%get3A_906, %get3A_907] {strides = array<i32>} : memref<832x32xf32, #tpu.memory_space<vmem>>, vector<1x16xf32>,
        %get3A_909 = vector.shape_cast %get3A_908 : vector<1x16xf32> to vector<16xf32>
        %add3A_910 = arith.addf %get3A_909, %get3A_204 : vector<16xf32>
        %swap3A_911 = arith.index_cast %add3A_905 : i32 to index
        %swap3A_912 = arith.constant 0 : index
        %swap3A_913 = tpu.vector_load %arg7[%swap3A_911, %swap3A_912] {strides = array<i32>} : memref<832x32xf32, #tpu.memory_space<vmem>>, vector<1x16xf32>,
        %swap3A_914 = vector.shape_cast %swap3A_913 : vector<1x16xf32> to vector<16xf32>
        %swap3A_915 = vector.shape_cast %add3A_910 : vector<16xf32> to vector<1x16xf32>
        tpu.vector_store %arg7[%swap3A_911, %swap3A_912], %swap3A_915 {strides = array<i32>} : memref<832x32xf32, #tpu.memory_space<vmem>>, vector<1x16xf32>,
        %mul3A_916 = arith.constant 26 : i32
        %mul3A_917 = arith.muli %scan3A_342, %mul3A_916 : i32
        %add3A_918 = arith.constant 20 : i32
        %add3A_919 = arith.addi %mul3A_917, %add3A_918 : i32
        %get3A_920 = arith.index_cast %add3A_919 : i32 to index
        %get3A_921 = arith.constant 16 : index
        %get3A_922 = tpu.vector_load %arg7[%get3A_920, %get3A_921] {strides = array<i32>} : memref<832x32xf32, #tpu.memory_space<vmem>>, vector<1x16xf32>,
        %get3A_923 = vector.shape_cast %get3A_922 : vector<1x16xf32> to vector<16xf32>
        %add3A_924 = arith.addf %get3A_923, %get3A_209 : vector<16xf32>
        %swap3A_925 = arith.index_cast %add3A_919 : i32 to index
        %swap3A_926 = arith.constant 16 : index
        %swap3A_927 = tpu.vector_load %arg7[%swap3A_925, %swap3A_926] {strides = array<i32>} : memref<832x32xf32, #tpu.memory_space<vmem>>, vector<1x16xf32>,
        %swap3A_928 = vector.shape_cast %swap3A_927 : vector<1x16xf32> to vector<16xf32>
        %swap3A_929 = vector.shape_cast %add3A_924 : vector<16xf32> to vector<1x16xf32>
        tpu.vector_store %arg7[%swap3A_925, %swap3A_926], %swap3A_929 {strides = array<i32>} : memref<832x32xf32, #tpu.memory_space<vmem>>, vector<1x16xf32>,
        %mul3A_930 = arith.constant 26 : i32
        %mul3A_931 = arith.muli %scan3A_342, %mul3A_930 : i32
        %add3A_932 = arith.constant 21 : i32
        %add3A_933 = arith.addi %mul3A_931, %add3A_932 : i32
        %get3A_934 = arith.index_cast %add3A_933 : i32 to index
        %get3A_935 = arith.constant 0 : index
        %get3A_936 = tpu.vector_load %arg7[%get3A_934, %get3A_935] {strides = array<i32>} : memref<832x32xf32, #tpu.memory_space<vmem>>, vector<1x16xf32>,
        %get3A_937 = vector.shape_cast %get3A_936 : vector<1x16xf32> to vector<16xf32>
        %add3A_938 = arith.addf %get3A_937, %get3A_214 : vector<16xf32>
        %swap3A_939 = arith.index_cast %add3A_933 : i32 to index
        %swap3A_940 = arith.constant 0 : index
        %swap3A_941 = tpu.vector_load %arg7[%swap3A_939, %swap3A_940] {strides = array<i32>} : memref<832x32xf32, #tpu.memory_space<vmem>>, vector<1x16xf32>,
        %swap3A_942 = vector.shape_cast %swap3A_941 : vector<1x16xf32> to vector<16xf32>
        %swap3A_943 = vector.shape_cast %add3A_938 : vector<16xf32> to vector<1x16xf32>
        tpu.vector_store %arg7[%swap3A_939, %swap3A_940], %swap3A_943 {strides = array<i32>} : memref<832x32xf32, #tpu.memory_space<vmem>>, vector<1x16xf32>,
        %mul3A_944 = arith.constant 26 : i32
        %mul3A_945 = arith.muli %scan3A_342, %mul3A_944 : i32
        %add3A_946 = arith.constant 21 : i32
        %add3A_947 = arith.addi %mul3A_945, %add3A_946 : i32
        %get3A_948 = arith.index_cast %add3A_947 : i32 to index
        %get3A_949 = arith.constant 16 : index
        %get3A_950 = tpu.vector_load %arg7[%get3A_948, %get3A_949] {strides = array<i32>} : memref<832x32xf32, #tpu.memory_space<vmem>>, vector<1x16xf32>,
        %get3A_951 = vector.shape_cast %get3A_950 : vector<1x16xf32> to vector<16xf32>
        %add3A_952 = arith.addf %get3A_951, %get3A_219 : vector<16xf32>
        %swap3A_953 = arith.index_cast %add3A_947 : i32 to index
        %swap3A_954 = arith.constant 16 : index
        %swap3A_955 = tpu.vector_load %arg7[%swap3A_953, %swap3A_954] {strides = array<i32>} : memref<832x32xf32, #tpu.memory_space<vmem>>, vector<1x16xf32>,
        %swap3A_956 = vector.shape_cast %swap3A_955 : vector<1x16xf32> to vector<16xf32>
        %swap3A_957 = vector.shape_cast %add3A_952 : vector<16xf32> to vector<1x16xf32>
        tpu.vector_store %arg7[%swap3A_953, %swap3A_954], %swap3A_957 {strides = array<i32>} : memref<832x32xf32, #tpu.memory_space<vmem>>, vector<1x16xf32>,
        %mul3A_958 = arith.constant 26 : i32
        %mul3A_959 = arith.muli %scan3A_342, %mul3A_958 : i32
        %add3A_960 = arith.constant 22 : i32
        %add3A_961 = arith.addi %mul3A_959, %add3A_960 : i32
        %get3A_962 = arith.index_cast %add3A_961 : i32 to index
        %get3A_963 = arith.constant 0 : index
        %get3A_964 = tpu.vector_load %arg7[%get3A_962, %get3A_963] {strides = array<i32>} : memref<832x32xf32, #tpu.memory_space<vmem>>, vector<1x16xf32>,
        %get3A_965 = vector.shape_cast %get3A_964 : vector<1x16xf32> to vector<16xf32>
        %add3A_966 = arith.addf %get3A_965, %get3A_224 : vector<16xf32>
        %swap3A_967 = arith.index_cast %add3A_961 : i32 to index
        %swap3A_968 = arith.constant 0 : index
        %swap3A_969 = tpu.vector_load %arg7[%swap3A_967, %swap3A_968] {strides = array<i32>} : memref<832x32xf32, #tpu.memory_space<vmem>>, vector<1x16xf32>,
        %swap3A_970 = vector.shape_cast %swap3A_969 : vector<1x16xf32> to vector<16xf32>
        %swap3A_971 = vector.shape_cast %add3A_966 : vector<16xf32> to vector<1x16xf32>
        tpu.vector_store %arg7[%swap3A_967, %swap3A_968], %swap3A_971 {strides = array<i32>} : memref<832x32xf32, #tpu.memory_space<vmem>>, vector<1x16xf32>,
        %mul3A_972 = arith.constant 26 : i32
        %mul3A_973 = arith.muli %scan3A_342, %mul3A_972 : i32
        %add3A_974 = arith.constant 22 : i32
        %add3A_975 = arith.addi %mul3A_973, %add3A_974 : i32
        %get3A_976 = arith.index_cast %add3A_975 : i32 to index
        %get3A_977 = arith.constant 16 : index
        %get3A_978 = tpu.vector_load %arg7[%get3A_976, %get3A_977] {strides = array<i32>} : memref<832x32xf32, #tpu.memory_space<vmem>>, vector<1x16xf32>,
        %get3A_979 = vector.shape_cast %get3A_978 : vector<1x16xf32> to vector<16xf32>
        %add3A_980 = arith.addf %get3A_979, %get3A_229 : vector<16xf32>
        %swap3A_981 = arith.index_cast %add3A_975 : i32 to index
        %swap3A_982 = arith.constant 16 : index
        %swap3A_983 = tpu.vector_load %arg7[%swap3A_981, %swap3A_982] {strides = array<i32>} : memref<832x32xf32, #tpu.memory_space<vmem>>, vector<1x16xf32>,
        %swap3A_984 = vector.shape_cast %swap3A_983 : vector<1x16xf32> to vector<16xf32>
        %swap3A_985 = vector.shape_cast %add3A_980 : vector<16xf32> to vector<1x16xf32>
        tpu.vector_store %arg7[%swap3A_981, %swap3A_982], %swap3A_985 {strides = array<i32>} : memref<832x32xf32, #tpu.memory_space<vmem>>, vector<1x16xf32>,
        %mul3A_986 = arith.constant 26 : i32
        %mul3A_987 = arith.muli %scan3A_342, %mul3A_986 : i32
        %add3A_988 = arith.constant 23 : i32
        %add3A_989 = arith.addi %mul3A_987, %add3A_988 : i32
        %get3A_990 = arith.index_cast %add3A_989 : i32 to index
        %get3A_991 = arith.constant 0 : index
        %get3A_992 = tpu.vector_load %arg7[%get3A_990, %get3A_991] {strides = array<i32>} : memref<832x32xf32, #tpu.memory_space<vmem>>, vector<1x16xf32>,
        %get3A_993 = vector.shape_cast %get3A_992 : vector<1x16xf32> to vector<16xf32>
        %add3A_994 = arith.addf %get3A_993, %get3A_234 : vector<16xf32>
        %swap3A_995 = arith.index_cast %add3A_989 : i32 to index
        %swap3A_996 = arith.constant 0 : index
        %swap3A_997 = tpu.vector_load %arg7[%swap3A_995, %swap3A_996] {strides = array<i32>} : memref<832x32xf32, #tpu.memory_space<vmem>>, vector<1x16xf32>,
        %swap3A_998 = vector.shape_cast %swap3A_997 : vector<1x16xf32> to vector<16xf32>
        %swap3A_999 = vector.shape_cast %add3A_994 : vector<16xf32> to vector<1x16xf32>
        tpu.vector_store %arg7[%swap3A_995, %swap3A_996], %swap3A_999 {strides = array<i32>} : memref<832x32xf32, #tpu.memory_space<vmem>>, vector<1x16xf32>,
        %mul3A_1000 = arith.constant 26 : i32
        %mul3A_1001 = arith.muli %scan3A_342, %mul3A_1000 : i32
        %add3A_1002 = arith.constant 23 : i32
        %add3A_1003 = arith.addi %mul3A_1001, %add3A_1002 : i32
        %get3A_1004 = arith.index_cast %add3A_1003 : i32 to index
        %get3A_1005 = arith.constant 16 : index
        %get3A_1006 = tpu.vector_load %arg7[%get3A_1004, %get3A_1005] {strides = array<i32>} : memref<832x32xf32, #tpu.memory_space<vmem>>, vector<1x16xf32>,
        %get3A_1007 = vector.shape_cast %get3A_1006 : vector<1x16xf32> to vector<16xf32>
        %add3A_1008 = arith.addf %get3A_1007, %get3A_239 : vector<16xf32>
        %swap3A_1009 = arith.index_cast %add3A_1003 : i32 to index
        %swap3A_1010 = arith.constant 16 : index
        %swap3A_1011 = tpu.vector_load %arg7[%swap3A_1009, %swap3A_1010] {strides = array<i32>} : memref<832x32xf32, #tpu.memory_space<vmem>>, vector<1x16xf32>,
        %swap3A_1012 = vector.shape_cast %swap3A_1011 : vector<1x16xf32> to vector<16xf32>
        %swap3A_1013 = vector.shape_cast %add3A_1008 : vector<16xf32> to vector<1x16xf32>
        tpu.vector_store %arg7[%swap3A_1009, %swap3A_1010], %swap3A_1013 {strides = array<i32>} : memref<832x32xf32, #tpu.memory_space<vmem>>, vector<1x16xf32>,
        %mul3A_1014 = arith.constant 26 : i32
        %mul3A_1015 = arith.muli %scan3A_342, %mul3A_1014 : i32
        %add3A_1016 = arith.constant 24 : i32
        %add3A_1017 = arith.addi %mul3A_1015, %add3A_1016 : i32
        %get3A_1018 = arith.index_cast %add3A_1017 : i32 to index
        %get3A_1019 = arith.constant 0 : index
        %get3A_1020 = tpu.vector_load %arg7[%get3A_1018, %get3A_1019] {strides = array<i32>} : memref<832x32xf32, #tpu.memory_space<vmem>>, vector<1x16xf32>,
        %get3A_1021 = vector.shape_cast %get3A_1020 : vector<1x16xf32> to vector<16xf32>
        %add3A_1022 = arith.addf %get3A_1021, %get3A_244 : vector<16xf32>
        %swap3A_1023 = arith.index_cast %add3A_1017 : i32 to index
        %swap3A_1024 = arith.constant 0 : index
        %swap3A_1025 = tpu.vector_load %arg7[%swap3A_1023, %swap3A_1024] {strides = array<i32>} : memref<832x32xf32, #tpu.memory_space<vmem>>, vector<1x16xf32>,
        %swap3A_1026 = vector.shape_cast %swap3A_1025 : vector<1x16xf32> to vector<16xf32>
        %swap3A_1027 = vector.shape_cast %add3A_1022 : vector<16xf32> to vector<1x16xf32>
        tpu.vector_store %arg7[%swap3A_1023, %swap3A_1024], %swap3A_1027 {strides = array<i32>} : memref<832x32xf32, #tpu.memory_space<vmem>>, vector<1x16xf32>,
        %mul3A_1028 = arith.constant 26 : i32
        %mul3A_1029 = arith.muli %scan3A_342, %mul3A_1028 : i32
        %add3A_1030 = arith.constant 24 : i32
        %add3A_1031 = arith.addi %mul3A_1029, %add3A_1030 : i32
        %get3A_1032 = arith.index_cast %add3A_1031 : i32 to index
        %get3A_1033 = arith.constant 16 : index
        %get3A_1034 = tpu.vector_load %arg7[%get3A_1032, %get3A_1033] {strides = array<i32>} : memref<832x32xf32, #tpu.memory_space<vmem>>, vector<1x16xf32>,
        %get3A_1035 = vector.shape_cast %get3A_1034 : vector<1x16xf32> to vector<16xf32>
        %add3A_1036 = arith.addf %get3A_1035, %get3A_249 : vector<16xf32>
        %swap3A_1037 = arith.index_cast %add3A_1031 : i32 to index
        %swap3A_1038 = arith.constant 16 : index
        %swap3A_1039 = tpu.vector_load %arg7[%swap3A_1037, %swap3A_1038] {strides = array<i32>} : memref<832x32xf32, #tpu.memory_space<vmem>>, vector<1x16xf32>,
        %swap3A_1040 = vector.shape_cast %swap3A_1039 : vector<1x16xf32> to vector<16xf32>
        %swap3A_1041 = vector.shape_cast %add3A_1036 : vector<16xf32> to vector<1x16xf32>
        tpu.vector_store %arg7[%swap3A_1037, %swap3A_1038], %swap3A_1041 {strides = array<i32>} : memref<832x32xf32, #tpu.memory_space<vmem>>, vector<1x16xf32>,
        %mul3A_1042 = arith.constant 26 : i32
        %mul3A_1043 = arith.muli %scan3A_342, %mul3A_1042 : i32
        %add3A_1044 = arith.constant 25 : i32
        %add3A_1045 = arith.addi %mul3A_1043, %add3A_1044 : i32
        %get3A_1046 = arith.index_cast %add3A_1045 : i32 to index
        %get3A_1047 = arith.constant 0 : index
        %get3A_1048 = tpu.vector_load %arg7[%get3A_1046, %get3A_1047] {strides = array<i32>} : memref<832x32xf32, #tpu.memory_space<vmem>>, vector<1x16xf32>,
        %get3A_1049 = vector.shape_cast %get3A_1048 : vector<1x16xf32> to vector<16xf32>
        %add3A_1050 = arith.addf %get3A_1049, %get3A_254 : vector<16xf32>
        %swap3A_1051 = arith.index_cast %add3A_1045 : i32 to index
        %swap3A_1052 = arith.constant 0 : index
        %swap3A_1053 = tpu.vector_load %arg7[%swap3A_1051, %swap3A_1052] {strides = array<i32>} : memref<832x32xf32, #tpu.memory_space<vmem>>, vector<1x16xf32>,
        %swap3A_1054 = vector.shape_cast %swap3A_1053 : vector<1x16xf32> to vector<16xf32>
        %swap3A_1055 = vector.shape_cast %add3A_1050 : vector<16xf32> to vector<1x16xf32>
        tpu.vector_store %arg7[%swap3A_1051, %swap3A_1052], %swap3A_1055 {strides = array<i32>} : memref<832x32xf32, #tpu.memory_space<vmem>>, vector<1x16xf32>,
        %mul3A_1056 = arith.constant 26 : i32
        %mul3A_1057 = arith.muli %scan3A_342, %mul3A_1056 : i32
        %add3A_1058 = arith.constant 25 : i32
        %add3A_1059 = arith.addi %mul3A_1057, %add3A_1058 : i32
        %get3A_1060 = arith.index_cast %add3A_1059 : i32 to index
        %get3A_1061 = arith.constant 16 : index
        %get3A_1062 = tpu.vector_load %arg7[%get3A_1060, %get3A_1061] {strides = array<i32>} : memref<832x32xf32, #tpu.memory_space<vmem>>, vector<1x16xf32>,
        %get3A_1063 = vector.shape_cast %get3A_1062 : vector<1x16xf32> to vector<16xf32>
        %add3A_1064 = arith.addf %get3A_1063, %get3A_259 : vector<16xf32>
        %swap3A_1065 = arith.index_cast %add3A_1059 : i32 to index
        %swap3A_1066 = arith.constant 16 : index
        %swap3A_1067 = tpu.vector_load %arg7[%swap3A_1065, %swap3A_1066] {strides = array<i32>} : memref<832x32xf32, #tpu.memory_space<vmem>>, vector<1x16xf32>,
        %swap3A_1068 = vector.shape_cast %swap3A_1067 : vector<1x16xf32> to vector<16xf32>
        %swap3A_1069 = vector.shape_cast %add3A_1064 : vector<16xf32> to vector<1x16xf32>
        tpu.vector_store %arg7[%swap3A_1065, %swap3A_1066], %swap3A_1069 {strides = array<i32>} : memref<832x32xf32, #tpu.memory_space<vmem>>, vector<1x16xf32>,
      }
      %scan3A_329 = arith.constant 32 : i32
      %scan3A_330 = arith.constant 0 : i32
      %scan3A_331 = arith.constant 0 : i32
      %scan3A_332 = arith.constant 32 : i32
      %scan3A_333 = arith.addi %scan3A_331, %scan3A_332 : i32
      %scan3A_334 = arith.constant 1 : i32
      scf.for %scan3A_342 = %scan3A_331 to %scan3A_333 step %scan3A_334  : i32 {
        %mul3A_343 = arith.constant 26 : i32
        %mul3A_344 = arith.muli %scan3A_342, %mul3A_343 : i32
        %add3A_345 = arith.addi %add3A_270, %scan3A_342 : i32
        %dma_start3A = arith.constant 0 : i32
        %dma_start3A_346 = tpu.memref_slice %arg7[%mul3A_344, %dma_start3A] : memref<832x32xf32, #tpu.memory_space<vmem>> -> memref<26x32xf32, #tpu.memory_space<vmem>>
        %dma_start3A_347 = arith.constant 0 : i32
        %dma_start3A_348 = arith.constant 0 : i32
        %dma_start3A_349 = tpu.memref_slice %arg5[%add3A_345, %dma_start3A_347, %dma_start3A_348] : memref<16384x26x32xf32, #tpu.memory_space<hbm>> -> memref<1x26x32xf32, #tpu.memory_space<hbm>>
        %dma_start3A_350 = tpu.memref_squeeze %dma_start3A_349 : memref<1x26x32xf32, #tpu.memory_space<hbm>> -> memref<26x32xf32, #tpu.memory_space<hbm>>
        %dma_start3A_351 = arith.constant 0 : i32
        %dma_start3A_352 = arith.constant 0 : i32
        %dma_start3A_353 = tpu.memref_slice %arg5[%add3A_345, %dma_start3A_351, %dma_start3A_352] : memref<16384x26x32xf32, #tpu.memory_space<hbm>> -> memref<1x26x32xf32, #tpu.memory_space<hbm>>
        %dma_start3A_354 = tpu.memref_squeeze %dma_start3A_353 : memref<1x26x32xf32, #tpu.memory_space<hbm>> -> memref<26x32xf32, #tpu.memory_space<hbm>>
        %dma_start3A_355 = arith.constant 0 : i32
        %dma_start3A_356 = tpu.memref_slice %arg7[%mul3A_344, %dma_start3A_355] : memref<832x32xf32, #tpu.memory_space<vmem>> -> memref<26x32xf32, #tpu.memory_space<vmem>>
        tpu.enqueue_dma source(%dma_start3A_356 : memref<26x32xf32, #tpu.memory_space<vmem>>) target(%dma_start3A_354 : memref<26x32xf32, #tpu.memory_space<hbm>>) target_semaphore(%arg13 : memref<!tpu.dma_semaphore, #tpu.memory_space<semaphore_mem>>)
      }
      %scan3A_335 = arith.constant 32 : i32
      %dma_wait3A_336 = arith.constant 0 : i32
      %dma_wait3A_337 = arith.constant 0 : i32
      %dma_wait3A_338 = tpu.memref_slice %arg3[%dma_wait3A_336, %dma_wait3A_337] : memref<2600001x32xf32, #tpu.memory_space<hbm>> -> memref<832x32xf32, #tpu.memory_space<hbm>>
      %dma_wait3A_339 = arith.constant 0 : i32
      %dma_wait3A_340 = arith.constant 0 : i32
      %dma_wait3A_341 = tpu.memref_slice %arg3[%dma_wait3A_339, %dma_wait3A_340] : memref<2600001x32xf32, #tpu.memory_space<hbm>> -> memref<832x32xf32, #tpu.memory_space<hbm>>
      tpu.wait_dma2 semaphore(%arg13 : memref<!tpu.dma_semaphore, #tpu.memory_space<semaphore_mem>>) src(%dma_wait3A_341 : memref<832x32xf32, #tpu.memory_space<hbm>>) dst(%arg7 : memref<832x32xf32, #tpu.memory_space<vmem>>)
    }
    %scan3A_264 = arith.constant 16 : i32
    return
  }
}

</mosaic_0001>

<sc_bundles>
// kernel: kernel.3.cloned.1.call-start
scs
__scs_entry_jumppad:
0x0: {  	(pc) =	sbr.rel $0x88, $3  }
0x1: {  	(tag) =	ssettag $0x0;
	lr =	simm.s32 $0x1  }
0x2: {  	[smem:$0x3F9E] =	sst lr;
	_ =	strace $0xD0000000  }
0x3: {  	_ = 	snop  }
0x4: {  	_ = 	snop  }
0x5: {  	_ = 	snop  }
0x6: {  	_ = 	snop  }
0x7: {  	_ = 	snop  }
__scs_overlays_trampoline_lowered:
0x8: {  	[smem:$0x3FAD] =	sst s0  }
0x9: {  	[smem:$0x3FAE] =	sst s1  }
0xa: {  	[smem:$0x3FAF] =	sst s2  }
0xb: {  	[smem:$0x3FB0] =	sst s3  }
0xc: {  	[smem:$0x3FB1] =	sst s4  }
0xd: {  	[smem:$0x3FB2] =	sst s5  }
0xe: {  	[smem:$0x3FB3] =	sst s6  }
0xf: {  	[smem:$0x3FB4] =	sst s7  }
0x10: {  	[smem:$0x3FB5] =	sst s8  }
0x11: {  	[smem:$0x3FB6] =	sst s9;
	s0 =	simm.s32 @!p0 $0x0  }
0x12: {  	s1 =	sld [smem:$0x3F9C];
	s0 =	simm.s32 @p0 $0x1  }
0x13: {  	[smem:$0x3FB7] =	sst s0;
	s0 =	simm.s32 @!p1 $0x0  }
0x14: {  	s2 =	sld [smem:$0x3F9B];
	s0 =	simm.s32 @p1 $0x1  }
0x15: {  	[smem:$0x3FB8] =	sst s0;
	s0 =	simm.s32 @!p2 $0x0  }
0x16: {  	s3 =	sld [smem:$0x3FDB];
	s0 =	simm.s32 @p2 $0x1  }
0x17: {  	s4 =	simm.s32 $0x1BF5;
	[smem:$0x3FBA] =	sst s0  }
0x18: {  	s0 =	sld [smem:$0x3F9D];
	_ =	swait.ge [sflag:s4], $0x0  }
0x19: {  	s7 =	sld [smem:$0x3F9E]  }
0x1a: {  	s8 =	sadd.s32 $0xFFFFE003, lr  }
0x1b: {  	s9 =	sadd.s32 $0xFFFFFEF7, lr;
	s5 =	simm.s32 $0xFFFFFFFF;
	p2 =	slt.u32 s8, $0xFFFFF086  }
0x1c: {  	p1 =	slt.u32 s9, $0xF7A;
	s5 =	simm.s32 @!p2 $0x0  }
0x1d: {  	s5 =	simm.s32 @p1 $0x1;
	p0 =	seq.s32 s7, s2  }
0x1e: {  	s7 =	smul.u32 @!p0 $0xF7A, s2;
	p2 =	seq.s32 @!p0 s5, $0x0  }
0x1f: {  	s9 =	smul.u32 $0xF7A, s1;
	s8 =	simm.s32 @!p0 $0x1BF5;
	p2 =	por !p2, p0  }
0x20: {  	[sflag:s8] =	ssyncset.s32 @!p0 $0xFFFFF086;
	s6 =	sadd.s32 @!p0 s3, s7;
	s7 =	simm.s32 @!p0 $0x108  }
0x21: {  	s3 =	sadd.s32 s3, s9;
	s6 =	sadd.s32 @!p0 $0x88, s6;
	s7 =	simm.s32 @p2 $0x1082  }
0x22: {  	[simem:s7], [sflag:s8] =	dma.local @!p0 [hbm:s6], $0xF7A  }
0x23: {  	s9 =	sor.u32 $0xD0000000, s2;
	s6 =	simm.s32 $0x108;
	_ =	swait.ge @!p0 [sflag:s8], $0x0  }
0x24: {  	s3 =	sadd.s32 $0x88, s3;
	s6 =	simm.s32 @!p1 $0x1082;
	[sflag:s4] =	ssyncset.s32 $0xFFFFF086  }
0x25: {  	[simem:s6], [sflag:s4] =	dma.local [hbm:s3], $0xF7A  }
0x26: {  	[smem:$0x3F9E] =	sst s1;
	(tag) =	ssettag s2;
	_ =	strace s9  }
0x27: {  	s1 =	sld [smem:$0x3FAE]  }
0x28: {  	s2 =	sld [smem:$0x3FAF]  }
0x29: {  	s4 =	sld [smem:$0x3FB1]  }
0x2a: {  	p0 =	seq.s32 s5, $0x0;
	s5 =	sld [smem:$0x3FB2]  }
0x2b: {  	s6 =	sld [smem:$0x3FB3]  }
0x2c: {  	s7 =	sld [smem:$0x3FB4]  }
0x2d: {  	s3 =	simm.s32 $0x108;
	s8 =	sld [smem:$0x3FB5]  }
0x2e: {  	s3 =	simm.s32 @!p0 $0x1082;
	s9 =	sld [smem:$0x3FB6]  }
0x2f: {  	lr =	sadd.s32 s0, s3;
	s0 =	sld [smem:$0x3FAD]  }
0x30: {  	s3 =	sld [smem:$0x3FB0]  }
0x31: {  	[smem:$0x3FB9] =	sst s10  }
0x32: {  	s10 =	sld [smem:$0x3FB7];
	_ =	sdelay $0x3  }
0x33: {  	p0 =	seq.s32 s10, $0x1;
	s10 =	sld [smem:$0x3FB9];
	_ =	sdelay $0x3  }
0x34: {  	[smem:$0x3FB9] =	sst s10  }
0x35: {  	s10 =	sld [smem:$0x3FB8];
	_ =	sdelay $0x3  }
0x36: {  	p1 =	seq.s32 s10, $0x1;
	s10 =	sld [smem:$0x3FB9];
	_ =	sdelay $0x3  }
0x37: {  	[smem:$0x3FB9] =	sst s10  }
0x38: {  	s10 =	sld [smem:$0x3FBA]  }
0x39: {  	_ = 	snop;
	(pc) =	sbr.ind lr, $3  }
0x3a: {  	_ = 	snop  }
0x3b: {  	_ = 	snop  }
0x3c: {  	p2 =	seq.s32 s10, $0x1;
	s10 =	sld [smem:$0x3FB9]  }
0x3d: {  	_ =	shalt  }
0x3e: {  	_ =	shalt  }
0x3f: {  	_ =	shalt  }
0x40: {  	_ =	shalt  }
0x41: {  	_ =	shalt  }
0x42: {  	_ =	shalt  }
0x43: {  	_ =	shalt  }
0x44: {  	_ =	shalt  }
0x45: {  	_ =	shalt  }
0x46: {  	_ =	shalt  }
0x47: {  	_ =	shalt  }
0x48: {  	_ =	shalt  }
0x49: {  	_ =	shalt  }
0x4a: {  	_ =	shalt  }
0x4b: {  	_ =	shalt  }
0x4c: {  	_ =	shalt  }
0x4d: {  	_ =	shalt  }
0x4e: {  	_ =	shalt  }
0x4f: {  	_ =	shalt  }
0x50: {  	_ =	shalt  }
0x51: {  	_ =	shalt  }
0x52: {  	_ =	shalt  }
0x53: {  	_ =	shalt  }
0x54: {  	_ =	shalt  }
0x55: {  	_ =	shalt  }
0x56: {  	_ =	shalt  }
0x57: {  	_ =	shalt  }
0x58: {  	_ =	shalt  }
0x59: {  	_ =	shalt  }
0x5a: {  	_ =	shalt  }
0x5b: {  	_ =	shalt  }
0x5c: {  	_ =	shalt  }
0x5d: {  	_ =	shalt  }
0x5e: {  	_ =	shalt  }
0x5f: {  	_ =	shalt  }
0x60: {  	_ =	shalt  }
0x61: {  	_ =	shalt  }
0x62: {  	_ =	shalt  }
0x63: {  	_ =	shalt  }
0x64: {  	_ =	shalt  }
0x65: {  	_ =	shalt  }
0x66: {  	_ =	shalt  }
0x67: {  	_ =	shalt  }
0x68: {  	_ =	shalt  }
0x69: {  	_ =	shalt  }
0x6a: {  	_ =	shalt  }
0x6b: {  	_ =	shalt  }
0x6c: {  	_ =	shalt  }
0x6d: {  	_ =	shalt  }
0x6e: {  	_ =	shalt  }
0x6f: {  	_ =	shalt  }
0x70: {  	_ =	shalt  }
0x71: {  	_ =	shalt  }
0x72: {  	_ =	shalt  }
0x73: {  	_ =	shalt  }
0x74: {  	_ =	shalt  }
0x75: {  	_ =	shalt  }
0x76: {  	_ =	shalt  }
0x77: {  	_ =	shalt  }
0x78: {  	_ =	shalt  }
0x79: {  	_ =	shalt  }
0x7a: {  	_ =	shalt  }
0x7b: {  	_ =	shalt  }
0x7c: {  	_ =	shalt  }
0x7d: {  	_ =	shalt  }
0x7e: {  	_ =	shalt  }
0x7f: {  	_ =	shalt  }
0x80: {  	_ =	shalt  }
0x81: {  	_ =	shalt  }
0x82: {  	_ =	shalt  }
0x83: {  	_ =	shalt  }
0x84: {  	_ =	shalt  }
0x85: {  	_ =	shalt  }
0x86: {  	_ =	shalt  }
0x87: {  	_ =	shalt  }
.Lfunc_end0:
.L_simem_size_0:
called_computation_lowered:
.L_overlay_start_0:
0x88: {  	s2 =	sld [smem:$0x3FD9]  }
0x89: {  	s3 =	sld [smem:$0x3FFE];
	_ =	sdelay $0x1  }
0x8a: {  	s1 =	srdreg.scid  }
0x8b: {  	s0 =	sand.u32 $0x1, s1  }
0x8c: {  	s17 =	sshll.u32 s0, $0xA;
	s2 =	sadd.s32 s3, s2  }
0x8d: {  	s2 =	sadd.s32 s2, s17  }
0x8e: {  	[smem:$0x3FC5] =	sst s2  }
0x8f: {  	_ = 	snop  }
0x90: {  	s2 =	sld [smem:$0x3FD0];
	(tm) =	ssettm $0x1  }
0x91: {  	s18 =	sld [smem:$0x3FFB];
	_ =	sdelay $0x3  }
0x92: {  	_ =	strace s18  }
0x93: {  	s3 =	sld [smem:$0x3FFC];
	_ =	sdelay $0x3  }
0x94: {  	_ =	strace s3  }
0x95: {  	s3 =	sld [smem:$0x3FFD];
	_ =	sdelay $0x3  }
0x96: {  	_ =	strace s3  }
0x97: {  	_ =	strace $0x8FFFFFFF  }
0x98: {  	s19 =	sld [smem:$0x3FDB];
	_ =	sdelay $0x1  }
0x99: {  	s4 =	simm.s32 $_scs_section_size  }
0x9a: {  	s5 =	simm.s32 $_size__tile_overlayer_lowered;
	s6 =	simm.s32 $_tile_overlayer_lowered  }
0x9b: {  	s22 =	simm.s32 $0x1BFF;
	s21 =	sshll.u32 s6, $0x1;
	s3 =	sadd.s32 s4, s19  }
0x9c: {  	s7 =	simm.s32 $0x0;
	s20 =	sshll.u32 s5, $0x1;
	s5 =	sadd.s32 s21, s3  }
0x9d: {  	[timem:s7], [sflag:s22] =	dma.local [hbm:s5], s20  }
0x9e: {  	_ =	swait.ge [sflag:s22], s20  }
0x9f: {  	s4 =	ssub.s32 $0x0, s20;
	[sflag:s22] =	ssyncset.done $0x0  }
0xa0: {  	[sflag:s22] =	ssyncadd.s32 s4;
	_ =	sdelay $0x1  }
0xa1: {  	s23 =	simm.s32 $0x1B8B  }
0xa2: {  	_ =	swait.ge [sflag:s23], $0x1  }
0xa3: {  	[sflag:s23] =	ssyncset.done $0x0  }
0xa4: {  	s25 =	simm.s32 $0x1B8E;
	s24 =	sld [smem:$0x3FFE];
	[sflag:s23] =	ssyncadd.s32 $0xFFFFFFFF  }
0xa5: {  	s26 =	simm.s32 $execute0_lowered;
	[smem:$0x3FD2] =	sst s25  }
0xa6: {  	s5 =	sshll.u32 s26, $0x1;
	_ =	strace $0x80000046;
	[dreg:$0x1] =	wrdreg $0xFFFFFFFF  }
0xa7: {  	s28 =	simm.s32 $_size_execute0_lowered;
	s3 =	sadd.s32 s3, s5;
	[dreg:$0x0] =	wrdreg $0x0  }
0xa8: {  	s5 =	sshll.u32 s28, $0x1;
	[dreg:$0x2] =	wrdreg s3  }
0xa9: {  	[dreg:$0x3] =	wrdreg s5  }
0xaa: {  	[dreg:$0x4] =	wrdreg $0xC0  }
0xab: {  	_ =	task [dreg:s7], $0x5FFFF  }
0xac: {  	[dreg:$0x1] =	wrdreg $0xFFFFFFFF  }
0xad: {  	[dreg:$0x0] =	wrdreg $0x60  }
0xae: {  	[dreg:$0x2] =	wrdreg s2  }
0xaf: {  	[dreg:$0x3] =	wrdreg s24  }
0xb0: {  	[dreg:$0x4] =	wrdreg $0x9  }
0xb1: {  	_ =	task.clear_ibuf [dreg:s7], $0x5FFFF;
	_ =	strace $0x90000046  }
0xb2: {  	s29 =	simm.s32 $0x9;
	_ =	strace $0x80000048  }
0xb3: {  	_ =	swait.ge [sflag:s29], $0x1  }
0xb4: {  	[sflag:s29] =	ssyncadd.s32 $0xFFFFFFFF  }
0xb5: {  	_ =	strace $0x90000048  }
0xb6: {  	_ =	sfence  }
0xb7: {  	s30 =	sld [smem:$0x0];
	_ =	sdelay $0x2  }
0xb8: {  	s31 =	sshll.u32 s1, $0xD;
	s1 =	sshrl.u32 s1, $0x2  }
0xb9: {  	s3 =	sand.u32 $0x4000, s31;
	s1 =	sadd.s32 s1, s30  }
0xba: {  	s0 =	sor.u32 s3, s0;
	s1 =	sshll.u32 s1, $0x11  }
0xbb: {  	s0 =	sor.u32 s1, s0  }
0xbc: {  	s0 =	sadd.s32 $0x8F2B, s0  }
0xbd: {  	[sflag:s0] =	ssyncadd.remote.s32 $0x1  }
0xbe: {  	_ =	sfence.sel $0xFFFF  }
0xbf: {  	[dreg:$0x0] =	wrdreg $0xFFFFFFFF;
	(pc) =	sbr.abs _section_cstart, $3  }
0xc0: {  	[dreg:$0x1] =	wrdreg $0xFFFFFFFF  }
0xc1: {  	_ =	task.clear_ibuf [dreg:s7], $0x2FFFF;
	_ =	strace $0x9FFFFFFF  }
0xc2: {  	(tm) =	ssettm $0x7FFFFFFF  }
0xc3: {  	_ =	shalt  }
tec
execute0_lowered:
.L_overlay_start_1:
0x0: {  	(tag) =	ssettag $0x1  }
0x1: {  	s1 =	rddreg [dreg:$0x0]  }
0x2: {  	s0 =	rddreg [dreg:$0x1];
	s2 =	simm.s32 $0x0;
	s3 =	srdreg.scid  }
0x3: {  	s5 =	stileid.u32;
	s10 =	simm.s32 $0x6;
	s11 =	simm.s32 $0x1  }
0x4: {  	s12 =	simm.s32 $0x2;
	s13 =	simm.s32 $0x3;
	s14 =	simm.s32 $0x4  }
0x5: {  	s15 =	simm.s32 $0x5;
	s16 =	simm.s32 $0x0;
	[smem:$0x7FF] =	sst s2  }
0x6: {  	s3 =	sand.u32 $0x1, s3;
	s4 =	sadd.s32 $0x800, s0;
	s7 =	sshll.u32 s5, $0x13  }
0x7: {  	s9 =	sadd.s32 $0x27ACE00, s0;
	s29 =	sshll.u32 s5, $0xA;
	s6 =	ssub.s32 $0x2, s3  }
0x8: {  	_ =	strace $0x80000047;
	s0 =	sadd.s32 s7, s0;
	s8 =	sshrl.u32 s6, $0x1  }
0x9: {  	s30 =	sshll.u32 s3, $0x9;
	s3 =	sshll.u32 s3, $0x12;
	s28 =	ssub.s32 s6, s8  }
0xa: {  	[dreg:$0x3] =	wrdreg s9;
	s0 =	sadd.s32 s3, s0;
	s31 =	smax.u32 s28, $0x1  }
0xb: {  	s6 =	sor.u32 s30, s29;
	s8 =	sadd.s32 $0x27AD000, s0;
	[dreg:$0x4] =	wrdreg s31  }
.LBB2_1:
0xc: {  	s0 =	rddreg [dreg:$0x3];
	s3 =	simm.s32 $0x1B000  }
0xd: {  	[tilespmem:s3], [sflag:$0x6] =	stream.linear.gather [hbm4b:s0+s2], $0x1000, $0x38;
	[tilespmem:$0x1C000] =	vst v63  }
0xe: {  	_ =	swait.ge [sflag:s10], $0x1000  }
0xf: {  	[sflag:s10] =	ssyncset.done $0x0  }
0x10: {  	[sflag:s10] =	ssyncadd.s32 $0xFFFFF000  }
0x11: {  	v0 =	vld [tilespmem:$0x1B000]  }
0x12: {  	v1 =	vld [tilespmem:$0x1B010]  }
0x13: {  	v2 =	vld [tilespmem:$0x1B080]  }
0x14: {  	v3 =	vld [tilespmem:$0x1B090]  }
0x15: {  	v4 =	vld [tilespmem:$0x1B100]  }
0x16: {  	v5 =	vld [tilespmem:$0x1B110]  }
0x17: {  	v6 =	vld [tilespmem:$0x1B180]  }
0x18: {  	v7 =	vld [tilespmem:$0x1B190]  }
0x19: {  	v8 =	vld [tilespmem:$0x1B200]  }
0x1a: {  	v9 =	vld [tilespmem:$0x1B210]  }
0x1b: {  	v10 =	vld [tilespmem:$0x1B280]  }
0x1c: {  	v11 =	vld [tilespmem:$0x1B290]  }
0x1d: {  	v12 =	vld [tilespmem:$0x1B300]  }
0x1e: {  	v13 =	vld [tilespmem:$0x1B310]  }
0x1f: {  	v14 =	vld [tilespmem:$0x1B380]  }
0x20: {  	v15 =	vld [tilespmem:$0x1B390]  }
0x21: {  	v16 =	vld [tilespmem:$0x1B400]  }
0x22: {  	v17 =	vld [tilespmem:$0x1B410]  }
0x23: {  	v18 =	vld [tilespmem:$0x1B480]  }
0x24: {  	v19 =	vld [tilespmem:$0x1B490]  }
0x25: {  	v20 =	vld [tilespmem:$0x1B500]  }
0x26: {  	v21 =	vld [tilespmem:$0x1B510]  }
0x27: {  	v22 =	vld [tilespmem:$0x1B580]  }
0x28: {  	v23 =	vld [tilespmem:$0x1B590]  }
0x29: {  	v24 =	vld [tilespmem:$0x1B600]  }
0x2a: {  	v25 =	vld [tilespmem:$0x1B610]  }
0x2b: {  	v26 =	vld [tilespmem:$0x1B680]  }
0x2c: {  	v27 =	vld [tilespmem:$0x1B690]  }
0x2d: {  	v28 =	vld [tilespmem:$0x1B700]  }
0x2e: {  	v29 =	vld [tilespmem:$0x1B710]  }
0x2f: {  	v30 =	vld [tilespmem:$0x1B780]  }
0x30: {  	v31 =	vld [tilespmem:$0x1B790]  }
0x31: {  	v32 =	vld [tilespmem:$0x1B800]  }
0x32: {  	v33 =	vld [tilespmem:$0x1B810]  }
0x33: {  	v34 =	vld [tilespmem:$0x1B880]  }
0x34: {  	v35 =	vld [tilespmem:$0x1B890]  }
0x35: {  	v36 =	vld [tilespmem:$0x1B900]  }
0x36: {  	v37 =	vld [tilespmem:$0x1B910]  }
0x37: {  	v38 =	vld [tilespmem:$0x1B980]  }
0x38: {  	v39 =	vld [tilespmem:$0x1B990]  }
0x39: {  	v40 =	vld [tilespmem:$0x1BA00]  }
0x3a: {  	v41 =	vld [tilespmem:$0x1BA10]  }
0x3b: {  	v42 =	vld [tilespmem:$0x1BA80]  }
0x3c: {  	v43 =	vld [tilespmem:$0x1BA90]  }
0x3d: {  	v44 =	vld [tilespmem:$0x1BB00]  }
0x3e: {  	v45 =	vld [tilespmem:$0x1BB10]  }
0x3f: {  	v46 =	vld [tilespmem:$0x1BB80]  }
0x40: {  	v47 =	vld [tilespmem:$0x1BB90]  }
0x41: {  	v48 =	vld [tilespmem:$0x1BC00]  }
0x42: {  	v49 =	vld [tilespmem:$0x1BC10]  }
0x43: {  	v50 =	vld [tilespmem:$0x1BC80]  }
0x44: {  	s17 =	smov.u32 s8;
	s18 =	simm.s32 $0x0;
	v51 =	vld [tilespmem:$0x1BC90]  }
.LBB2_2:
0x45: {  	s0 =	sshll.u32 s18, $0x5  }
0x46: {  	s3 =	simm.s32 $0x0;
	s0 =	sadd.s32 s6, s0  }
0x47: {  	s9 =	simm.s32 $0x80;
	s21 =	simm.s32 $0x1000;
	s0 =	sshll.u32 s0, $0x4  }
0x48: {  	s7 =	sand.u32 $0x1FC00, s3;
	s19 =	sand.u32 $0x300, s3;
	s0 =	sadd.s32 s1, s0  }
0x49: {  	[tilespmem:s3], [sflag:$0x6] =	stream.linear.gather [hbm4b:s0+s3], $0x1000, $0x38;
	[tilespmem:$0x1C000] =	vst v63  }
0x4a: {  	s20 =	sand.u32 $0x380, s9;
	s19 =	sor.u32 s19, s7;
	_ =	swait.ge [sflag:s10], $0x1000  }
0x4b: {  	s19 =	sshrl.u32 s19, $0x3;
	s0 =	sor.u32 s7, s20;
	[sflag:s10] =	ssyncset.done $0x0  }
0x4c: {  	s19 =	sadd.s32 s4, s19;
	s0 =	sshrl.u32 s0, $0x3;
	[sflag:s10] =	ssyncadd.s32 $0xFFFFF000  }
0x4d: {  	[tilespmem:s21], [sflag:$0x1] =	stream.linear.gather [hbm4b:s19+s2], $0x80, $0x38;
	[tilespmem:$0x1C000] =	vst v63  }
0x4e: {  	s22 =	simm.s32 $0x1080;
	s20 =	sadd.s32 $0x0, s4;
	s0 =	sadd.s32 s4, s0  }
0x4f: {  	[tilespmem:s22], [sflag:$0x2] =	stream.linear.gather [hbm4b:s0+s2], $0x80, $0x38;
	[tilespmem:$0x1C000] =	vst v63  }
0x50: {  	s23 =	simm.s32 $0x1100;
	s24 =	sadd.s32 $0x20, s20  }
0x51: {  	[tilespmem:s23], [sflag:$0x3] =	stream.linear.gather [hbm4b:s24+s2], $0x80, $0x38;
	[tilespmem:$0x1C000] =	vst v63  }
0x52: {  	s25 =	simm.s32 $0x1180;
	s26 =	sadd.s32 $0x30, s20  }
0x53: {  	[tilespmem:s25], [sflag:$0x4] =	stream.linear.gather [hbm4b:s26+s2], $0x80, $0x38;
	[tilespmem:$0x1C000] =	vst v63  }
0x54: {  	s5 =	simm.s32 $0x1200;
	s7 =	sadd.s32 $0x40, s20  }
0x55: {  	[tilespmem:s5], [sflag:$0x1] =	stream.linear.gather [hbm4b:s7+s2], $0x80, $0x38;
	[tilespmem:$0x1C000] =	vst v63  }
0x56: {  	s9 =	sand.u32 $0x7F80, s9;
	s19 =	simm.s32 $0x1280;
	s21 =	sadd.s32 $0x50, s20  }
0x57: {  	[tilespmem:s19], [sflag:$0x2] =	stream.linear.gather [hbm4b:s21+s2], $0x80, $0x38;
	[tilespmem:$0x1C000] =	vst v63  }
0x58: {  	s3 =	sand.u32 $0x60, s3;
	s23 =	simm.s32 $0x1300;
	s24 =	sadd.s32 $0x60, s20  }
0x59: {  	[tilespmem:s23], [sflag:$0x3] =	stream.linear.gather [hbm4b:s24+s2], $0x80, $0x38;
	[tilespmem:$0x1C000] =	vst v63  }
0x5a: {  	s22 =	sadd.s32 $0x70, s20;
	s25 =	simm.s32 $0x1380;
	s26 =	sadd.s32 s4, s3  }
0x5b: {  	[tilespmem:s25], [sflag:$0x4] =	stream.linear.gather [hbm4b:s22+s2], $0x80, $0x38;
	[tilespmem:$0x1C000] =	vst v63  }
0x5c: {  	s3 =	sadd.s32 s9, s26;
	s5 =	simm.s32 $0x1400  }
0x5d: {  	[tilespmem:s5], [sflag:$0x1] =	stream.linear.gather [hbm4b:s3+s2], $0x80, $0x38;
	[tilespmem:$0x1C000] =	vst v63  }
0x5e: {  	s28 =	simm.s32 $0x3400;
	s9 =	sadd.s32 $0x90, s20;
	s7 =	simm.s32 $0x1480  }
0x5f: {  	[tilespmem:s7], [sflag:$0x2] =	stream.linear.gather [hbm4b:s9+s2], $0x80, $0x38;
	[tilespmem:$0x1C000] =	vst v63  }
0x60: {  	s29 =	simm.s32 $0x1A80;
	s19 =	simm.s32 $0x1500;
	s21 =	sadd.s32 $0xA0, s20  }
0x61: {  	[tilespmem:s19], [sflag:$0x3] =	stream.linear.gather [hbm4b:s21+s2], $0x80, $0x38;
	[tilespmem:$0x1C000] =	vst v63  }
0x62: {  	s31 =	sadd.s32 $0x170, s20;
	s23 =	sadd.s32 $0xB0, s20;
	s22 =	simm.s32 $0x1580  }
0x63: {  	[tilespmem:s22], [sflag:$0x4] =	stream.linear.gather [hbm4b:s23+s2], $0x80, $0x38;
	[tilespmem:$0x1C000] =	vst v63  }
0x64: {  	s0 =	simm.s32 $0x1B00;
	s24 =	simm.s32 $0x1600;
	s25 =	sadd.s32 $0xC0, s20  }
0x65: {  	[tilespmem:s24], [sflag:$0x1] =	stream.linear.gather [hbm4b:s25+s2], $0x80, $0x38;
	[tilespmem:$0x1C000] =	vst v63  }
0x66: {  	s5 =	simm.s32 $0x1680;
	s3 =	sadd.s32 $0x160, s20;
	s7 =	sadd.s32 $0xD0, s20  }
0x67: {  	[tilespmem:s5], [sflag:$0x2] =	stream.linear.gather [hbm4b:s7+s2], $0x80, $0x38;
	[tilespmem:$0x1C000] =	vst v63  }
0x68: {  	s9 =	simm.s32 $0x1700;
	s19 =	sadd.s32 $0xE0, s20;
	s23 =	simm.s32 $0x100  }
0x69: {  	[tilespmem:s9], [sflag:$0x3] =	stream.linear.gather [hbm4b:s19+s2], $0x80, $0x38;
	[tilespmem:$0x1C000] =	vst v63  }
0x6a: {  	s21 =	simm.s32 $0x1780;
	s24 =	sadd.s32 $0xF0, s20;
	s25 =	sand.u32 $0x7F80, s23  }
0x6b: {  	[tilespmem:s21], [sflag:$0x4] =	stream.linear.gather [hbm4b:s24+s2], $0x80, $0x38;
	[tilespmem:$0x1C000] =	vst v63  }
0x6c: {  	s22 =	simm.s32 $0x0;
	s7 =	simm.s32 $0x1800;
	s9 =	sadd.s32 s25, s26  }
0x6d: {  	[tilespmem:s7], [sflag:$0x1] =	stream.linear.gather [hbm4b:s9+s2], $0x80, $0x38;
	[tilespmem:$0x1C000] =	vst v63  }
0x6e: {  	s5 =	simm.s32 $0x180;
	s19 =	sadd.s32 $0x110, s20;
	s9 =	simm.s32 $0x1880  }
0x6f: {  	[tilespmem:s9], [sflag:$0x2] =	stream.linear.gather [hbm4b:s19+s2], $0x80, $0x38;
	[tilespmem:$0x1C000] =	vst v63  }
0x70: {  	s30 =	sand.u32 $0x7F80, s5;
	s25 =	sadd.s32 $0x120, s20;
	s21 =	simm.s32 $0x1900  }
0x71: {  	[tilespmem:s21], [sflag:$0x3] =	stream.linear.gather [hbm4b:s25+s2], $0x80, $0x38;
	[tilespmem:$0x1C000] =	vst v63  }
0x72: {  	s5 =	simm.s32 $0x1980;
	s24 =	simm.s32 $0x6800;
	s7 =	sadd.s32 $0x130, s20  }
0x73: {  	[tilespmem:s5], [sflag:$0x4] =	stream.linear.gather [hbm4b:s7+s2], $0x80, $0x38;
	[tilespmem:$0x1C000] =	vst v63  }
0x74: {  	s19 =	simm.s32 $0x1A0;
	s9 =	simm.s32 $0x1A00;
	s25 =	sadd.s32 $0x140, s20  }
0x75: {  	[tilespmem:s9], [sflag:$0x1] =	stream.linear.gather [hbm4b:s25+s2], $0x80, $0x38;
	[tilespmem:$0x1C000] =	vst v63  }
0x76: {  	s21 =	simm.s32 $0x20;
	s25 =	simm.s32 $0xD00;
	s9 =	sadd.s32 $0x150, s20  }
.LBB2_3:
0x77: {  	[tilespmem:s29], [sflag:$0x2] =	stream.linear.gather [hbm4b:s9+s2], $0x80, $0x38;
	[tilespmem:$0x1C000] =	vst v63  }
0x78: {  	s29 =	smov.u32 s24  }
0x79: {  	s9 =	sand.u32 $0x1FC00, s25;
	s5 =	sadd.s32 $0x80, s25;
	s7 =	sadd.s32 $0x1B80, s22  }
0x7a: {  	[tilespmem:s0], [sflag:$0x3] =	stream.linear.gather [hbm4b:s3+s2], $0x80, $0x38;
	[tilespmem:$0x1C000] =	vst v63  }
0x7b: {  	s0 =	sadd.s32 $0x1C00, s22;
	s3 =	sadd.s32 s30, s26;
	s26 =	sadd.s32 $0x1C80, s22  }
0x7c: {  	[tilespmem:s7], [sflag:$0x4] =	stream.linear.gather [hbm4b:s31+s2], $0x80, $0x38;
	[tilespmem:$0x1C000] =	vst v63  }
0x7d: {  	s5 =	sand.u32 $0x380, s5;
	s22 =	sshra.s32 s28, $0x2;
	s7 =	sand.u32 $0x300, s23  }
0x7e: {  	s5 =	sor.u32 s9, s5;
	s7 =	sor.u32 s7, s9;
	s9 =	sadd.s32 $0x190, s20  }
0x7f: {  	[tilespmem:s0], [sflag:$0x1] =	stream.linear.gather [hbm4b:s3+s2], $0x80, $0x38;
	[tilespmem:$0x1C000] =	vst v63  }
0x80: {  	s5 =	sshrl.u32 s5, $0x3;
	s0 =	sadd.s32 $0x1000, s22;
	s3 =	sshrl.u32 s7, $0x3  }
0x81: {  	[tilespmem:s26], [sflag:$0x2] =	stream.linear.gather [hbm4b:s9+s2], $0x80, $0x38;
	[tilespmem:$0x1C000] =	vst v63  }
0x82: {  	s5 =	sadd.s32 s4, s5;
	s7 =	sadd.s32 $0x1080, s22;
	s3 =	sadd.s32 s4, s3  }
0x83: {  	[tilespmem:s0], [sflag:$0x1] =	stream.linear.gather [hbm4b:s3+s2], $0x80, $0x38;
	[tilespmem:$0x1C000] =	vst v63  }
0x84: {  	p0 =	sne.s32 s24, $0x64C00;
	s20 =	sadd.s32 s19, s4;
	s0 =	sadd.s32 $0x1100, s22  }
0x85: {  	[tilespmem:s7], [sflag:$0x2] =	stream.linear.gather [hbm4b:s5+s2], $0x80, $0x38;
	[tilespmem:$0x1C000] =	vst v63  }
0x86: {  	s30 =	sadd.s32 $0x180, s19;
	s3 =	sadd.s32 $0x20, s20;
	s5 =	sadd.s32 $0x1180, s22  }
0x87: {  	[tilespmem:s0], [sflag:$0x3] =	stream.linear.gather [hbm4b:s3+s2], $0x80, $0x38;
	[tilespmem:$0x1C000] =	vst v63  }
0x88: {  	s24 =	sadd.s32 $0x3400, s24;
	s0 =	sadd.s32 $0x30, s20;
	s3 =	sadd.s32 $0x1200, s22  }
0x89: {  	[tilespmem:s5], [sflag:$0x4] =	stream.linear.gather [hbm4b:s0+s2], $0x80, $0x38;
	[tilespmem:$0x1C000] =	vst v63  }
0x8a: {  	s7 =	sadd.s32 $0x70, s20;
	s0 =	sadd.s32 $0x40, s20;
	s5 =	sadd.s32 $0x1280, s22  }
0x8b: {  	[tilespmem:s3], [sflag:$0x1] =	stream.linear.gather [hbm4b:s0+s2], $0x80, $0x38;
	[tilespmem:$0x1C000] =	vst v63  }
0x8c: {  	s9 =	sand.u32 $0x60, s21;
	s0 =	sadd.s32 $0x50, s20;
	s3 =	sadd.s32 $0x1300, s22  }
0x8d: {  	[tilespmem:s5], [sflag:$0x2] =	stream.linear.gather [hbm4b:s0+s2], $0x80, $0x38;
	[tilespmem:$0x1C000] =	vst v63  }
0x8e: {  	s26 =	sadd.s32 $0x80, s19;
	s0 =	sadd.s32 $0x60, s20;
	s5 =	sadd.s32 $0x1380, s22  }
0x8f: {  	[tilespmem:s3], [sflag:$0x3] =	stream.linear.gather [hbm4b:s0+s2], $0x80, $0x38;
	[tilespmem:$0x1C000] =	vst v63  }
0x90: {  	s0 =	sand.u32 $0x7F80, s26;
	s3 =	sadd.s32 $0x1400, s22;
	s26 =	sadd.s32 s4, s9  }
0x91: {  	[tilespmem:s5], [sflag:$0x4] =	stream.linear.gather [hbm4b:s7+s2], $0x80, $0x38;
	[tilespmem:$0x1C000] =	vst v63  }
0x92: {  	s0 =	sadd.s32 s0, s26;
	s5 =	sadd.s32 $0x1480, s22;
	s7 =	sadd.s32 $0x90, s20  }
0x93: {  	[tilespmem:s3], [sflag:$0x1] =	stream.linear.gather [hbm4b:s0+s2], $0x80, $0x38;
	[tilespmem:$0x1C000] =	vst v63  }
0x94: {  	s28 =	smov.u32 s29;
	s0 =	sadd.s32 $0x1500, s22;
	s3 =	sadd.s32 $0xA0, s20  }
0x95: {  	[tilespmem:s5], [sflag:$0x2] =	stream.linear.gather [hbm4b:s7+s2], $0x80, $0x38;
	[tilespmem:$0x1C000] =	vst v63  }
0x96: {  	s5 =	sadd.s32 $0x1580, s22;
	s7 =	sadd.s32 $0xB0, s20  }
0x97: {  	[tilespmem:s0], [sflag:$0x3] =	stream.linear.gather [hbm4b:s3+s2], $0x80, $0x38;
	[tilespmem:$0x1C000] =	vst v63  }
0x98: {  	s0 =	sadd.s32 $0x1600, s22;
	s3 =	sadd.s32 $0xC0, s20  }
0x99: {  	[tilespmem:s5], [sflag:$0x4] =	stream.linear.gather [hbm4b:s7+s2], $0x80, $0x38;
	[tilespmem:$0x1C000] =	vst v63  }
0x9a: {  	s5 =	sadd.s32 $0x1680, s22;
	s7 =	sadd.s32 $0xD0, s20  }
0x9b: {  	[tilespmem:s0], [sflag:$0x1] =	stream.linear.gather [hbm4b:s3+s2], $0x80, $0x38;
	[tilespmem:$0x1C000] =	vst v63  }
0x9c: {  	s25 =	sadd.s32 $0xD00, s25;
	s0 =	sadd.s32 $0x1700, s22;
	s3 =	sadd.s32 $0xE0, s20  }
0x9d: {  	[tilespmem:s5], [sflag:$0x2] =	stream.linear.gather [hbm4b:s7+s2], $0x80, $0x38;
	[tilespmem:$0x1C000] =	vst v63  }
0x9e: {  	s9 =	sadd.s32 $0x100, s19;
	s5 =	sadd.s32 $0x1780, s22;
	s7 =	sadd.s32 $0xF0, s20  }
0x9f: {  	[tilespmem:s0], [sflag:$0x3] =	stream.linear.gather [hbm4b:s3+s2], $0x80, $0x38;
	[tilespmem:$0x1C000] =	vst v63  }
0xa0: {  	s30 =	sand.u32 $0x7F80, s30;
	s0 =	sand.u32 $0x7F80, s9;
	s3 =	sadd.s32 $0x1800, s22  }
0xa1: {  	[tilespmem:s5], [sflag:$0x4] =	stream.linear.gather [hbm4b:s7+s2], $0x80, $0x38;
	[tilespmem:$0x1C000] =	vst v63  }
0xa2: {  	s0 =	sadd.s32 s0, s26;
	s5 =	sadd.s32 $0x1880, s22;
	s7 =	sadd.s32 $0x110, s20  }
0xa3: {  	[tilespmem:s3], [sflag:$0x1] =	stream.linear.gather [hbm4b:s0+s2], $0x80, $0x38;
	[tilespmem:$0x1C000] =	vst v63  }
0xa4: {  	s19 =	sadd.s32 $0x1A0, s19;
	s0 =	sadd.s32 $0x1900, s22;
	s3 =	sadd.s32 $0x120, s20  }
0xa5: {  	[tilespmem:s5], [sflag:$0x2] =	stream.linear.gather [hbm4b:s7+s2], $0x80, $0x38;
	[tilespmem:$0x1C000] =	vst v63  }
0xa6: {  	s21 =	sadd.s32 $0x20, s21;
	s5 =	sadd.s32 $0x1980, s22;
	s7 =	sadd.s32 $0x130, s20  }
0xa7: {  	[tilespmem:s0], [sflag:$0x3] =	stream.linear.gather [hbm4b:s3+s2], $0x80, $0x38;
	[tilespmem:$0x1C000] =	vst v63  }
.Ltmp0:
0xa8: {  	s0 =	sadd.s32 $0x1A00, s22;
	s3 =	sadd.s32 $0x140, s20;
	(pc) =	sbr.rel @p0 .LBB2_3-.Ltmp0, $4  }
0xa9: {  	[tilespmem:s5], [sflag:$0x4] =	stream.linear.gather [hbm4b:s7+s2], $0x80, $0x38;
	[tilespmem:$0x1C000] =	vst v63  }
0xaa: {  	s29 =	sadd.s32 $0x1A80, s22;
	s23 =	sadd.s32 $0x100, s23;
	s9 =	sadd.s32 $0x150, s20  }
0xab: {  	[tilespmem:s0], [sflag:$0x1] =	stream.linear.gather [hbm4b:s3+s2], $0x80, $0x38;
	[tilespmem:$0x1C000] =	vst v63  }
0xac: {  	s31 =	sadd.s32 $0x170, s20;
	s0 =	sadd.s32 $0x1B00, s22;
	s3 =	sadd.s32 $0x160, s20  }
0xad: {  	[tilespmem:s29], [sflag:$0x2] =	stream.linear.gather [hbm4b:s9+s2], $0x80, $0x38;
	[tilespmem:$0x1C000] =	vst v63  }
0xae: {  	s5 =	sand.u32 $0x1FC00, s25  }
0xaf: {  	s24 =	sadd.s32 $0x80, s25;
	s25 =	sadd.s32 $0x1B80, s22;
	s7 =	sadd.s32 $0x1C00, s22  }
0xb0: {  	[tilespmem:s0], [sflag:$0x3] =	stream.linear.gather [hbm4b:s3+s2], $0x80, $0x38;
	[tilespmem:$0x1C000] =	vst v63  }
0xb1: {  	s26 =	sadd.s32 s30, s26;
	s29 =	sadd.s32 $0x1C80, s22;
	s23 =	sand.u32 $0x300, s23  }
0xb2: {  	[tilespmem:s25], [sflag:$0x4] =	stream.linear.gather [hbm4b:s31+s2], $0x80, $0x38;
	[tilespmem:$0x1C000] =	vst v63  }
0xb3: {  	s22 =	sshra.s32 s28, $0x2;
	s23 =	sor.u32 s23, s5;
	s0 =	sand.u32 $0x380, s24  }
0xb4: {  	[tilespmem:s7], [sflag:$0x1] =	stream.linear.gather [hbm4b:s26+s2], $0x80, $0x38;
	[tilespmem:$0x1C000] =	vst v63  }
0xb5: {  	s30 =	sadd.s32 $0x190, s20;
	s0 =	sor.u32 s5, s0;
	s31 =	sshrl.u32 s23, $0x3  }
0xb6: {  	[tilespmem:s29], [sflag:$0x2] =	stream.linear.gather [hbm4b:s30+s2], $0x80, $0x38;
	[tilespmem:$0x1C000] =	vst v63  }
0xb7: {  	s0 =	sshrl.u32 s0, $0x3;
	s5 =	sadd.s32 s4, s31;
	s7 =	sadd.s32 $0x1000, s22  }
0xb8: {  	[tilespmem:s7], [sflag:$0x1] =	stream.linear.gather [hbm4b:s5+s2], $0x80, $0x38;
	[tilespmem:$0x1C000] =	vst v63  }
0xb9: {  	s20 =	sadd.s32 s19, s4;
	s9 =	sadd.s32 $0x1080, s22;
	s0 =	sadd.s32 s4, s0  }
0xba: {  	[tilespmem:s9], [sflag:$0x2] =	stream.linear.gather [hbm4b:s0+s2], $0x80, $0x38;
	[tilespmem:$0x1C000] =	vst v63  }
0xbb: {  	s24 =	sadd.s32 $0x20, s20;
	s23 =	sadd.s32 $0x1100, s22  }
0xbc: {  	[tilespmem:s23], [sflag:$0x3] =	stream.linear.gather [hbm4b:s24+s2], $0x80, $0x38;
	[tilespmem:$0x1C000] =	vst v63  }
0xbd: {  	s25 =	sadd.s32 $0x1180, s22;
	s26 =	sadd.s32 $0x30, s20  }
0xbe: {  	[tilespmem:s25], [sflag:$0x4] =	stream.linear.gather [hbm4b:s26+s2], $0x80, $0x38;
	[tilespmem:$0x1C000] =	vst v63  }
0xbf: {  	s21 =	sand.u32 $0x60, s21;
	s28 =	sadd.s32 $0x1200, s22;
	s29 =	sadd.s32 $0x40, s20  }
0xc0: {  	[tilespmem:s28], [sflag:$0x1] =	stream.linear.gather [hbm4b:s29+s2], $0x80, $0x38;
	[tilespmem:$0x1C000] =	vst v63  }
0xc1: {  	s3 =	sadd.s32 s4, s21;
	s30 =	sadd.s32 $0x1280, s22;
	s7 =	sadd.s32 $0x50, s20  }
0xc2: {  	[tilespmem:s30], [sflag:$0x2] =	stream.linear.gather [hbm4b:s7+s2], $0x80, $0x38;
	[tilespmem:$0x1C000] =	vst v63  }
0xc3: {  	s9 =	sadd.s32 $0x1300, s22;
	s23 =	sadd.s32 $0x60, s20;
	s24 =	sadd.s32 $0x80, s19  }
0xc4: {  	[tilespmem:s9], [sflag:$0x3] =	stream.linear.gather [hbm4b:s23+s2], $0x80, $0x38;
	[tilespmem:$0x1C000] =	vst v63  }
0xc5: {  	s31 =	sadd.s32 $0x70, s20;
	s25 =	sadd.s32 $0x1380, s22;
	s26 =	sand.u32 $0x7F80, s24  }
0xc6: {  	[tilespmem:s25], [sflag:$0x4] =	stream.linear.gather [hbm4b:s31+s2], $0x80, $0x38;
	[tilespmem:$0x1C000] =	vst v63  }
0xc7: {  	s28 =	sadd.s32 $0x1400, s22;
	s29 =	sadd.s32 s26, s3  }
0xc8: {  	[tilespmem:s28], [sflag:$0x1] =	stream.linear.gather [hbm4b:s29+s2], $0x80, $0x38;
	[tilespmem:$0x1C000] =	vst v63  }
0xc9: {  	s30 =	sadd.s32 $0x1480, s22;
	s31 =	sadd.s32 $0x90, s20  }
0xca: {  	[tilespmem:s30], [sflag:$0x2] =	stream.linear.gather [hbm4b:s31+s2], $0x80, $0x38;
	[tilespmem:$0x1C000] =	vst v63  }
0xcb: {  	s7 =	sadd.s32 $0x1500, s22;
	s9 =	sadd.s32 $0xA0, s20  }
0xcc: {  	[tilespmem:s7], [sflag:$0x3] =	stream.linear.gather [hbm4b:s9+s2], $0x80, $0x38;
	[tilespmem:$0x1C000] =	vst v63  }
0xcd: {  	s21 =	sadd.s32 $0x1580, s22;
	s23 =	sadd.s32 $0xB0, s20  }
0xce: {  	[tilespmem:s21], [sflag:$0x4] =	stream.linear.gather [hbm4b:s23+s2], $0x80, $0x38;
	[tilespmem:$0x1C000] =	vst v63  }
0xcf: {  	s24 =	sadd.s32 $0x1600, s22;
	s25 =	sadd.s32 $0xC0, s20  }
0xd0: {  	[tilespmem:s24], [sflag:$0x1] =	stream.linear.gather [hbm4b:s25+s2], $0x80, $0x38;
	[tilespmem:$0x1C000] =	vst v63  }
0xd1: {  	s26 =	sadd.s32 $0x1680, s22;
	s28 =	sadd.s32 $0xD0, s20  }
0xd2: {  	[tilespmem:s26], [sflag:$0x2] =	stream.linear.gather [hbm4b:s28+s2], $0x80, $0x38;
	[tilespmem:$0x1C000] =	vst v63  }
0xd3: {  	s29 =	sadd.s32 $0x1700, s22;
	s30 =	sadd.s32 $0xE0, s20;
	s31 =	sadd.s32 $0x100, s19  }
0xd4: {  	[tilespmem:s29], [sflag:$0x3] =	stream.linear.gather [hbm4b:s30+s2], $0x80, $0x38;
	[tilespmem:$0x1C000] =	vst v63  }
0xd5: {  	s9 =	sadd.s32 $0x1780, s22;
	s7 =	sand.u32 $0x7F80, s31;
	s21 =	sadd.s32 $0xF0, s20  }
0xd6: {  	[tilespmem:s9], [sflag:$0x4] =	stream.linear.gather [hbm4b:s21+s2], $0x80, $0x38;
	[tilespmem:$0x1C000] =	vst v63  }
0xd7: {  	s23 =	sadd.s32 $0x1800, s22;
	s24 =	sadd.s32 s7, s3  }
0xd8: {  	[tilespmem:s23], [sflag:$0x1] =	stream.linear.gather [hbm4b:s24+s2], $0x80, $0x38;
	[tilespmem:$0x1C000] =	vst v63  }
0xd9: {  	s25 =	sadd.s32 $0x1880, s22;
	s26 =	sadd.s32 $0x110, s20  }
0xda: {  	[tilespmem:s25], [sflag:$0x2] =	stream.linear.gather [hbm4b:s26+s2], $0x80, $0x38;
	[tilespmem:$0x1C000] =	vst v63  }
0xdb: {  	s28 =	sadd.s32 $0x1900, s22;
	s29 =	sadd.s32 $0x120, s20  }
0xdc: {  	[tilespmem:s28], [sflag:$0x3] =	stream.linear.gather [hbm4b:s29+s2], $0x80, $0x38;
	[tilespmem:$0x1C000] =	vst v63  }
0xdd: {  	s31 =	sadd.s32 $0x130, s20;
	s30 =	sadd.s32 $0x1980, s22  }
0xde: {  	[tilespmem:s30], [sflag:$0x4] =	stream.linear.gather [hbm4b:s31+s2], $0x80, $0x38;
	[tilespmem:$0x1C000] =	vst v63  }
0xdf: {  	s5 =	sadd.s32 $0x1A00, s22;
	s7 =	sadd.s32 $0x140, s20  }
0xe0: {  	[tilespmem:s5], [sflag:$0x1] =	stream.linear.gather [hbm4b:s7+s2], $0x80, $0x38;
	[tilespmem:$0x1C000] =	vst v63  }
0xe1: {  	s9 =	sadd.s32 $0x1A80, s22;
	s21 =	sadd.s32 $0x150, s20  }
0xe2: {  	[tilespmem:s9], [sflag:$0x2] =	stream.linear.gather [hbm4b:s21+s2], $0x80, $0x38;
	[tilespmem:$0x1C000] =	vst v63  }
0xe3: {  	s23 =	sadd.s32 $0x180, s19;
	s24 =	sadd.s32 $0x1B00, s22;
	s25 =	sadd.s32 $0x160, s20  }
0xe4: {  	[tilespmem:s24], [sflag:$0x3] =	stream.linear.gather [hbm4b:s25+s2], $0x80, $0x38;
	[tilespmem:$0x1C000] =	vst v63  }
0xe5: {  	s0 =	sand.u32 $0x7F80, s23;
	s26 =	sadd.s32 $0x170, s20;
	s28 =	sadd.s32 $0x1B80, s22  }
0xe6: {  	[tilespmem:s28], [sflag:$0x4] =	stream.linear.gather [hbm4b:s26+s2], $0x80, $0x38;
	[tilespmem:$0x1C000] =	vst v63  }
0xe7: {  	s0 =	sadd.s32 s0, s3;
	s29 =	sadd.s32 $0x1C00, s22  }
0xe8: {  	[tilespmem:s29], [sflag:$0x1] =	stream.linear.gather [hbm4b:s0+s2], $0x80, $0x38;
	[tilespmem:$0x1C000] =	vst v63  }
0xe9: {  	s30 =	sadd.s32 $0x1C80, s22;
	s31 =	sadd.s32 $0x190, s20  }
0xea: {  	[tilespmem:s30], [sflag:$0x2] =	stream.linear.gather [hbm4b:s31+s2], $0x80, $0x38;
	[tilespmem:$0x1C000] =	vst v63  }
0xeb: {  	_ =	swait.ge [sflag:s11], $0x7000  }
0xec: {  	[sflag:s11] =	ssyncset.done $0x0  }
0xed: {  	[sflag:s11] =	ssyncadd.s32 $0xFFFF9000  }
0xee: {  	_ =	swait.ge [sflag:s12], $0x7000  }
0xef: {  	[sflag:s12] =	ssyncset.done $0x0  }
0xf0: {  	[sflag:s12] =	ssyncadd.s32 $0xFFFF9000  }
0xf1: {  	_ =	swait.ge [sflag:s13], $0x6000  }
0xf2: {  	[sflag:s13] =	ssyncset.done $0x0  }
0xf3: {  	[sflag:s13] =	ssyncadd.s32 $0xFFFFA000  }
0xf4: {  	_ =	swait.ge [sflag:s14], $0x6000  }
0xf5: {  	[sflag:s14] =	ssyncset.done $0x0  }
0xf6: {  	s19 =	simm.s32 $0x0;
	[sflag:s14] =	ssyncadd.s32 $0xFFFFA000  }
0xf7: {  	v52 =	vld [tilespmem:s19+$0x1000]  }
0xf8: {  	v53 =	vld [tilespmem:s19+$0x1010]  }
0xf9: {  	v54 =	vld [tilespmem:s19+$0x1080]  }
0xfa: {  	v55 =	vld [tilespmem:s19+$0x1090]  }
0xfb: {  	v56 =	vld [tilespmem:s19+$0x1100]  }
0xfc: {  	v57 =	vld [tilespmem:s19+$0x1110]  }
0xfd: {  	v58 =	vld [tilespmem:s19+$0x1180];
	v52 =	vadd.f32 v52, v0  }
0xfe: {  	v62 =	vld [tilespmem:s19+$0x1190];
	v53 =	vadd.f32 v53, v1  }
0xff: {  	v63 =	vld [tilespmem:s19+$0x1280];
	v54 =	vadd.f32 v54, v2;
	[tilespmem:s19+$0x1000] =	vst v52  }
0x100: {  	v60 =	vld [tilespmem:s19+$0x1290];
	v55 =	vadd.f32 v55, v3;
	[tilespmem:s19+$0x1010] =	vst v53  }
0x101: {  	v61 =	vld [tilespmem:s19+$0x1300];
	v56 =	vadd.f32 v56, v4;
	[tilespmem:s19+$0x1080] =	vst v54  }
0x102: {  	v57 =	vadd.f32 v57, v5;
	v53 =	vld [tilespmem:s19+$0x1200];
	[tilespmem:s19+$0x1090] =	vst v55  }
0x103: {  	v58 =	vadd.f32 v58, v6;
	v54 =	vld [tilespmem:s19+$0x1210];
	[tilespmem:s19+$0x1100] =	vst v56  }
0x104: {  	[tilespmem:s19+$0x1110] =	vst v57;
	v52 =	vadd.f32 v62, v7;
	v62 =	vld [tilespmem:s19+$0x1310]  }
0x105: {  	[tilespmem:s19+$0x1180] =	vst v58;
	v55 =	vadd.f32 v63, v10;
	v56 =	vadd.f32 v60, v11;
	v60 =	vld [tilespmem:s19+$0x1410]  }
0x106: {  	v57 =	vadd.f32 v61, v12;
	v61 =	vld [tilespmem:s19+$0x1480];
	[tilespmem:s19+$0x1190] =	vst v52  }
0x107: {  	v63 =	vld [tilespmem:s19+$0x1400];
	[tilespmem:s19+$0x1280] =	vst v55  }
0x108: {  	v52 =	vld [tilespmem:s19+$0x1380];
	[tilespmem:s19+$0x1290] =	vst v56;
	v53 =	vadd.f32 v53, v8  }
0x109: {  	[tilespmem:s19+$0x1300] =	vst v57;
	v54 =	vadd.f32 v54, v9;
	v58 =	vadd.f32 v62, v13;
	v62 =	vld [tilespmem:s19+$0x1490]  }
0x10a: {  	v55 =	vadd.f32 v60, v17;
	v60 =	vld [tilespmem:s19+$0x1590];
	[tilespmem:s19+$0x1200] =	vst v53  }
0x10b: {  	v56 =	vadd.f32 v61, v18;
	v61 =	vld [tilespmem:s19+$0x1600];
	[tilespmem:s19+$0x1210] =	vst v54  }
0x10c: {  	v53 =	vld [tilespmem:s19+$0x1390];
	[tilespmem:s19+$0x1310] =	vst v58  }
0x10d: {  	v52 =	vadd.f32 v52, v14;
	v58 =	vld [tilespmem:s19+$0x1500];
	[tilespmem:s19+$0x1410] =	vst v55  }
0x10e: {  	v54 =	vadd.f32 v63, v16;
	v63 =	vld [tilespmem:s19+$0x1580];
	[tilespmem:s19+$0x1480] =	vst v56  }
0x10f: {  	[tilespmem:s19+$0x1380] =	vst v52;
	v52 =	vld [tilespmem:s19+$0x1510];
	v57 =	vadd.f32 v62, v19  }
0x110: {  	[tilespmem:s19+$0x1400] =	vst v54;
	v62 =	vld [tilespmem:s19+$0x1610];
	v54 =	vadd.f32 v60, v23  }
0x111: {  	v60 =	vld [tilespmem:s19+$0x1710];
	v55 =	vadd.f32 v61, v24;
	[tilespmem:s19+$0x1490] =	vst v57  }
0x112: {  	v58 =	vadd.f32 v58, v20;
	v57 =	vld [tilespmem:s19+$0x1680];
	[tilespmem:s19+$0x1590] =	vst v54  }
0x113: {  	v61 =	vld [tilespmem:s19+$0x1780];
	v53 =	vadd.f32 v53, v15;
	[tilespmem:s19+$0x1600] =	vst v55  }
0x114: {  	v52 =	vadd.f32 v52, v21;
	[tilespmem:s19+$0x1500] =	vst v58;
	v58 =	vld [tilespmem:s19+$0x1690]  }
0x115: {  	[tilespmem:s19+$0x1390] =	vst v53;
	v53 =	vadd.f32 v63, v22;
	v63 =	vld [tilespmem:s19+$0x1700]  }
0x116: {  	v56 =	vadd.f32 v62, v25;
	[tilespmem:s19+$0x1510] =	vst v52  }
0x117: {  	v62 =	vld [tilespmem:s19+$0x1790];
	[tilespmem:s19+$0x1580] =	vst v53;
	v57 =	vadd.f32 v57, v26  }
0x118: {  	v54 =	vadd.f32 v61, v30;
	[tilespmem:s19+$0x1610] =	vst v56;
	v56 =	vld [tilespmem:s19+$0x1800]  }
0x119: {  	v53 =	vadd.f32 v60, v29;
	[tilespmem:s19+$0x1680] =	vst v57;
	v57 =	vld [tilespmem:s19+$0x1810]  }
0x11a: {  	[tilespmem:s19+$0x1780] =	vst v54;
	v58 =	vadd.f32 v58, v27;
	v52 =	vadd.f32 v63, v28;
	v63 =	vld [tilespmem:s19+$0x1880]  }
0x11b: {  	v60 =	vld [tilespmem:s19+$0x1890];
	[tilespmem:s19+$0x1710] =	vst v53  }
0x11c: {  	v61 =	vld [tilespmem:s19+$0x1900];
	v55 =	vadd.f32 v62, v31;
	[tilespmem:s19+$0x1690] =	vst v58  }
0x11d: {  	v62 =	vld [tilespmem:s19+$0x1910];
	[tilespmem:s19+$0x1700] =	vst v52;
	v56 =	vadd.f32 v56, v32  }
0x11e: {  	[tilespmem:s19+$0x1790] =	vst v55;
	v55 =	vld [tilespmem:s19+$0x1980];
	v57 =	vadd.f32 v57, v33  }
0x11f: {  	[tilespmem:s19+$0x1800] =	vst v56;
	v56 =	vld [tilespmem:s19+$0x1990];
	v58 =	vadd.f32 v63, v34  }
0x120: {  	v52 =	vadd.f32 v60, v35;
	[tilespmem:s19+$0x1810] =	vst v57;
	v57 =	vld [tilespmem:s19+$0x1A00]  }
0x121: {  	v53 =	vadd.f32 v61, v36;
	[tilespmem:s19+$0x1880] =	vst v58;
	v58 =	vld [tilespmem:s19+$0x1A10]  }
0x122: {  	v59 =	vld [tilespmem:s19+$0x1A80];
	[tilespmem:s19+$0x1890] =	vst v52;
	v52 =	vadd.f32 v62, v37  }
0x123: {  	v60 =	vld [tilespmem:s19+$0x1A90];
	[tilespmem:s19+$0x1900] =	vst v53;
	v53 =	vadd.f32 v55, v38  }
0x124: {  	v61 =	vld [tilespmem:s19+$0x1B00];
	[tilespmem:s19+$0x1910] =	vst v52;
	v63 =	vadd.f32 v56, v39  }
0x125: {  	[tilespmem:s19+$0x1980] =	vst v53;
	v56 =	vld [tilespmem:s19+$0x1B10];
	v62 =	vadd.f32 v57, v40  }
0x126: {  	v53 =	vld [tilespmem:s19+$0x1B80];
	[tilespmem:s19+$0x1990] =	vst v63;
	v63 =	vadd.f32 v58, v41  }
0x127: {  	v52 =	vld [tilespmem:s19+$0x1B90];
	[tilespmem:s19+$0x1A00] =	vst v62;
	v62 =	vadd.f32 v59, v42  }
0x128: {  	v54 =	vld [tilespmem:s19+$0x1C00];
	[tilespmem:s19+$0x1A10] =	vst v63;
	v63 =	vadd.f32 v60, v43  }
0x129: {  	v55 =	vld [tilespmem:s19+$0x1C10];
	v58 =	vadd.f32 v61, v44;
	[tilespmem:s19+$0x1A80] =	vst v62  }
0x12a: {  	s20 =	simm.s32 $0x3400;
	v57 =	vadd.f32 v56, v45;
	v56 =	vld [tilespmem:s19+$0x1C80];
	[tilespmem:s19+$0x1A90] =	vst v63  }
.LBB2_5:
0x12b: {  	s0 =	sshra.s32 s20, $0x2;
	p0 =	sne.s32 s20, $0x64C00;
	[tilespmem:s19+$0x1B00] =	vst v58;
	v53 =	vadd.f32 v53, v46;
	v58 =	vld [tilespmem:s19+$0x1C90]  }
0x12c: {  	v59 =	vld [tilespmem:s0+$0x1000];
	[tilespmem:s19+$0x1B10] =	vst v57;
	v52 =	vadd.f32 v52, v47  }
0x12d: {  	v57 =	vld [tilespmem:s0+$0x1010];
	[tilespmem:s19+$0x1B80] =	vst v53;
	v53 =	vadd.f32 v54, v48  }
0x12e: {  	v54 =	vld [tilespmem:s0+$0x1080];
	[tilespmem:s19+$0x1B90] =	vst v52;
	v52 =	vadd.f32 v55, v49  }
0x12f: {  	v55 =	vld [tilespmem:s0+$0x1090];
	[tilespmem:s19+$0x1C00] =	vst v53;
	v53 =	vadd.f32 v56, v50  }
0x130: {  	v56 =	vld [tilespmem:s0+$0x1100];
	[tilespmem:s19+$0x1C10] =	vst v52;
	v52 =	vadd.f32 v58, v51  }
0x131: {  	v58 =	vadd.f32 v59, v0;
	v59 =	vld [tilespmem:s0+$0x1110];
	[tilespmem:s19+$0x1C80] =	vst v53  }
0x132: {  	v53 =	vadd.f32 v57, v1;
	v57 =	vld [tilespmem:s0+$0x1180];
	[tilespmem:s19+$0x1C90] =	vst v52;
	s19 =	smov.u32 s0  }
0x133: {  	[tilespmem:s19+$0x1000] =	vst v58;
	v52 =	vadd.f32 v54, v2;
	v54 =	vld [tilespmem:s19+$0x1190]  }
0x134: {  	[tilespmem:s19+$0x1010] =	vst v53;
	v53 =	vadd.f32 v55, v3;
	v55 =	vld [tilespmem:s19+$0x1200]  }
0x135: {  	[tilespmem:s19+$0x1080] =	vst v52;
	v52 =	vadd.f32 v56, v4;
	v56 =	vld [tilespmem:s19+$0x1210]  }
0x136: {  	[tilespmem:s19+$0x1090] =	vst v53;
	v53 =	vadd.f32 v59, v5;
	v58 =	vld [tilespmem:s19+$0x1280]  }
0x137: {  	[tilespmem:s19+$0x1100] =	vst v52;
	v52 =	vadd.f32 v57, v6;
	v57 =	vld [tilespmem:s19+$0x1290]  }
0x138: {  	[tilespmem:s19+$0x1110] =	vst v53;
	v53 =	vadd.f32 v54, v7;
	v54 =	vld [tilespmem:s19+$0x1300]  }
0x139: {  	[tilespmem:s19+$0x1180] =	vst v52;
	v52 =	vadd.f32 v55, v8;
	v55 =	vld [tilespmem:s19+$0x1310]  }
0x13a: {  	[tilespmem:s19+$0x1190] =	vst v53;
	v53 =	vadd.f32 v56, v9;
	v56 =	vld [tilespmem:s19+$0x1380]  }
0x13b: {  	[tilespmem:s19+$0x1200] =	vst v52;
	v52 =	vadd.f32 v58, v10;
	v58 =	vld [tilespmem:s19+$0x1390]  }
0x13c: {  	[tilespmem:s19+$0x1210] =	vst v53;
	v53 =	vadd.f32 v57, v11;
	v57 =	vld [tilespmem:s19+$0x1400]  }
0x13d: {  	[tilespmem:s19+$0x1280] =	vst v52;
	v52 =	vadd.f32 v54, v12;
	v54 =	vld [tilespmem:s19+$0x1410]  }
0x13e: {  	[tilespmem:s19+$0x1290] =	vst v53;
	v53 =	vadd.f32 v55, v13;
	v55 =	vld [tilespmem:s19+$0x1480]  }
0x13f: {  	[tilespmem:s19+$0x1300] =	vst v52;
	v52 =	vadd.f32 v56, v14;
	v56 =	vld [tilespmem:s19+$0x1490]  }
0x140: {  	[tilespmem:s19+$0x1310] =	vst v53;
	v53 =	vadd.f32 v58, v15;
	v58 =	vld [tilespmem:s19+$0x1500]  }
0x141: {  	[tilespmem:s19+$0x1380] =	vst v52;
	v52 =	vadd.f32 v57, v16;
	v57 =	vld [tilespmem:s19+$0x1510]  }
0x142: {  	[tilespmem:s19+$0x1390] =	vst v53;
	v53 =	vadd.f32 v54, v17;
	v54 =	vld [tilespmem:s19+$0x1580]  }
0x143: {  	[tilespmem:s19+$0x1400] =	vst v52;
	v52 =	vadd.f32 v55, v18;
	v55 =	vld [tilespmem:s19+$0x1590]  }
0x144: {  	[tilespmem:s19+$0x1410] =	vst v53;
	v53 =	vadd.f32 v56, v19;
	v56 =	vld [tilespmem:s19+$0x1600]  }
0x145: {  	[tilespmem:s19+$0x1480] =	vst v52;
	v52 =	vadd.f32 v58, v20;
	v58 =	vld [tilespmem:s19+$0x1610]  }
0x146: {  	[tilespmem:s19+$0x1490] =	vst v53;
	v53 =	vadd.f32 v57, v21;
	v57 =	vld [tilespmem:s19+$0x1680]  }
0x147: {  	[tilespmem:s19+$0x1500] =	vst v52;
	v52 =	vadd.f32 v54, v22;
	v54 =	vld [tilespmem:s19+$0x1690]  }
0x148: {  	[tilespmem:s19+$0x1510] =	vst v53;
	v53 =	vadd.f32 v55, v23;
	v55 =	vld [tilespmem:s19+$0x1700]  }
0x149: {  	[tilespmem:s19+$0x1580] =	vst v52;
	v52 =	vadd.f32 v56, v24;
	v56 =	vld [tilespmem:s19+$0x1710]  }
0x14a: {  	[tilespmem:s19+$0x1590] =	vst v53;
	v53 =	vadd.f32 v58, v25;
	v58 =	vld [tilespmem:s19+$0x1780]  }
0x14b: {  	[tilespmem:s19+$0x1600] =	vst v52;
	v52 =	vadd.f32 v57, v26;
	v57 =	vld [tilespmem:s19+$0x1790]  }
0x14c: {  	[tilespmem:s19+$0x1610] =	vst v53;
	v53 =	vadd.f32 v54, v27;
	v54 =	vld [tilespmem:s19+$0x1800]  }
0x14d: {  	[tilespmem:s19+$0x1680] =	vst v52;
	v52 =	vadd.f32 v55, v28;
	v55 =	vld [tilespmem:s19+$0x1810]  }
0x14e: {  	[tilespmem:s19+$0x1690] =	vst v53;
	v53 =	vadd.f32 v56, v29;
	v56 =	vld [tilespmem:s19+$0x1880]  }
0x14f: {  	[tilespmem:s19+$0x1700] =	vst v52;
	v52 =	vadd.f32 v58, v30;
	v58 =	vld [tilespmem:s19+$0x1890]  }
0x150: {  	[tilespmem:s19+$0x1710] =	vst v53;
	v53 =	vadd.f32 v57, v31;
	v57 =	vld [tilespmem:s19+$0x1900]  }
0x151: {  	[tilespmem:s19+$0x1780] =	vst v52;
	v52 =	vadd.f32 v54, v32;
	v54 =	vld [tilespmem:s19+$0x1910]  }
0x152: {  	[tilespmem:s19+$0x1790] =	vst v53;
	v53 =	vadd.f32 v55, v33;
	v55 =	vld [tilespmem:s19+$0x1980]  }
0x153: {  	[tilespmem:s19+$0x1800] =	vst v52;
	v52 =	vadd.f32 v56, v34;
	v56 =	vld [tilespmem:s19+$0x1990]  }
0x154: {  	[tilespmem:s19+$0x1810] =	vst v53;
	v53 =	vadd.f32 v58, v35;
	v58 =	vld [tilespmem:s19+$0x1A00]  }
0x155: {  	[tilespmem:s19+$0x1880] =	vst v52;
	v52 =	vadd.f32 v57, v36;
	v57 =	vld [tilespmem:s19+$0x1A10]  }
0x156: {  	[tilespmem:s19+$0x1890] =	vst v53;
	v53 =	vadd.f32 v54, v37;
	v54 =	vld [tilespmem:s19+$0x1A80]  }
0x157: {  	[tilespmem:s19+$0x1900] =	vst v52;
	v52 =	vadd.f32 v55, v38;
	v55 =	vld [tilespmem:s19+$0x1A90]  }
0x158: {  	[tilespmem:s19+$0x1910] =	vst v53;
	v53 =	vadd.f32 v56, v39;
	v56 =	vld [tilespmem:s19+$0x1B00]  }
0x159: {  	[tilespmem:s19+$0x1980] =	vst v52;
	v52 =	vadd.f32 v58, v40;
	v59 =	vld [tilespmem:s19+$0x1B10]  }
.Ltmp1:
0x15a: {  	[tilespmem:s19+$0x1990] =	vst v53;
	v57 =	vadd.f32 v57, v41;
	v53 =	vld [tilespmem:s19+$0x1B80];
	(pc) =	sbr.rel @p0 .LBB2_5-.Ltmp1, $4  }
0x15b: {  	[tilespmem:s19+$0x1A00] =	vst v52;
	v58 =	vadd.f32 v54, v42;
	v52 =	vld [tilespmem:s19+$0x1B90]  }
0x15c: {  	[tilespmem:s19+$0x1A10] =	vst v57;
	v57 =	vadd.f32 v55, v43;
	v54 =	vld [tilespmem:s19+$0x1C00]  }
0x15d: {  	[tilespmem:s19+$0x1A80] =	vst v58;
	v58 =	vadd.f32 v56, v44;
	v55 =	vld [tilespmem:s19+$0x1C10]  }
0x15e: {  	s20 =	sadd.s32 $0x3400, s20;
	[tilespmem:s19+$0x1A90] =	vst v57;
	v57 =	vadd.f32 v59, v45;
	v56 =	vld [tilespmem:s19+$0x1C80]  }
0x15f: {  	[tilespmem:s19+$0x1B00] =	vst v58;
	v53 =	vadd.f32 v53, v46;
	v63 =	vld [tilespmem:s19+$0x1C90]  }
0x160: {  	[tilespmem:s19+$0x1B10] =	vst v57;
	v52 =	vadd.f32 v52, v47  }
0x161: {  	[tilespmem:s19+$0x1B80] =	vst v53;
	v60 =	vadd.f32 v54, v48  }
0x162: {  	[tilespmem:s19+$0x1B90] =	vst v52;
	v61 =	vadd.f32 v55, v49  }
0x163: {  	[tilespmem:s19+$0x1C00] =	vst v60;
	v62 =	vadd.f32 v56, v50  }
0x164: {  	[tilespmem:s19+$0x1C10] =	vst v61;
	v63 =	vadd.f32 v63, v51  }
0x165: {  	s20 =	simm.s32 $0x1000;
	[tilespmem:s19+$0x1C80] =	vst v62  }
0x166: {  	s0 =	simm.s32 $0x200;
	s9 =	sadd.s32 $0x0, s17;
	s3 =	simm.s32 $0x1D00;
	[tilespmem:s19+$0x1C90] =	vst v63  }
.LBB2_7:
0x167: {  	[hbm4b:s9+s2] =	stream.linear.scatter [tilespmem:s20], [sflag:$0x5], $0xD00, $0x38;
	[tilespmem:$0x1C000] =	vst v63  }
0x168: {  	s5 =	smov.u32 s0;
	s20 =	smov.u32 s3;
	p0 =	sne.s32 s0, $0x3E00  }
.Ltmp2:
0x169: {  	s0 =	sadd.s32 $0x200, s0;
	(pc) =	sbr.rel @p0 .LBB2_7-.Ltmp2, $2  }
0x16a: {  	_ =	sdelay $0x2  }
0x16b: {  	s3 =	sadd.s32 $0xD00, s3;
	s9 =	sadd.s32 s5, s17  }
0x16c: {  	s18 =	sadd.s32 $0x1, s18  }
0x16d: {  	p0 =	sne.s32 s18, $0x10  }
.Ltmp3:
0x16e: {  	_ = 	snop;
	(pc) =	sbr.rel @p0 .LBB2_2-.Ltmp3, $4  }
0x16f: {  	[hbm4b:s9+s2] =	stream.linear.scatter [tilespmem:s20], [sflag:$0x5], $0xD00, $0x38;
	[tilespmem:$0x1C000] =	vst v63  }
0x170: {  	_ =	swait.ge [sflag:s15], $0x1A000  }
0x171: {  	[sflag:s15] =	ssyncset.done $0x0  }
0x172: {  	s17 =	sadd.s32 $0x4000, s17;
	[sflag:s15] =	ssyncadd.s32 $0xFFFE6000  }
0x173: {  	s16 =	sadd.s32 $0x1, s16;
	s0 =	rddreg [dreg:$0x4]  }
0x174: {  	p0 =	sne.s32 s16, s0  }
.Ltmp4:
0x175: {  	_ = 	snop;
	(pc) =	sbr.rel @p0 .LBB2_1-.Ltmp4, $1  }
0x176: {  	_ =	sdelay $0x3  }
0x177: {  	_ =	sfence.sel $0x180000  }
0x178: {  	[bflag:$0x0] =	sbarrier.arrive $0xFFFF  }
0x179: {  	_ =	strace $0x90000047  }
0x17a: {  	s0 =	stileid.u32;
	[bflag:$0x2] =	sbarrier.arrive $0xFFFF  }
0x17b: {  	p0 =	sne.s32 s0, $0x0;
	s0 =	rddreg [dreg:$0x2]  }
0x17c: {  	s0 =	sadd.s32 @!p0 $0x100000, s0  }
0x17d: {  	[sflag:s0] =	ssyncadd.tile.s32 @!p0 $0x1;
	_ =	shalt  }
.Lfunc_end2:
_tile_overlayer_lowered:
.L_overlay_start_2:
0x17e: {  	(tag) =	ssettag $0x2  }
0x17f: {  	s0 =	rddreg [dreg:$0x0];
	s2 =	stileid.u32  }
0x180: {  	s1 =	rddreg [dreg:$0x1];
	p0 =	sne.s32 s2, $0x0  }
0x181: {  	s3 =	rddreg [dreg:$0x2];
	[bflag:$0x3] =	sbarrier.arrive $0xFFFF;
	s2 =	simm.s32 @!p0 $0x1C06  }
0x182: {  	[timem:s3], [sflag:s2] =	dma.local @!p0 [hbm:s0], s1  }
0x183: {  	s0 =	simm.s32 @!p0 $0x6  }
0x184: {  	_ =	swait.ge @!p0 [sflag:s0], s1  }
0x185: {  	s1 =	ssub.s32 @!p0 $0x0, s1;
	[sflag:s0] =	ssyncset.done @!p0 $0x0  }
0x186: {  	[sflag:s0] =	ssyncadd.s32 @!p0 s1  }
0x187: {  	[bflag:$0x3] =	sbarrier.arrive $0xFFFF  }
0x188: {  	_ =	shalt  }

</sc_bundles>
